<compile_context>
chip_gen: v7x
topology: tpu7x:2x2x1
jax: 0.10.2.dev20260603
libtpu: 0.0.44.dev20260713+nightly
codegen_flags: <defaults>
</compile_context>

<pallas_src>
import jax
import jax.numpy as jnp
from jax import lax
from jax.experimental import pallas as pl
from jax.experimental.pallas import tpu as pltpu
from jax.experimental.pallas import tpu_sc as plsc

_NUM_EXPERTS = 16
_CAPACITY = 512
_TPC = 256


def _logit_body(x_ref, w_ref, pm_ref, lg_ref, oh_ref):
    x = x_ref[0]
    w = w_ref[...]
    logits = jnp.dot(x, w, preferred_element_type=jnp.float32)
    lg_ref[0] = logits
    m = jnp.max(logits, axis=-1, keepdims=True)
    s = jnp.sum(jnp.exp(logits - m), axis=-1, keepdims=True)
    pm_ref[0] = 1.0 / s
    E = logits.shape[1]
    eq = logits == m
    er = jax.lax.broadcasted_iota(jnp.int32, (E, E), 0)
    ec = jax.lax.broadcasted_iota(jnp.int32, (E, E), 1)
    lmat = (er < ec).astype(jnp.bfloat16)
    before = jnp.dot(eq.astype(jnp.bfloat16), lmat,
                     preferred_element_type=jnp.float32)
    oh_ref[0] = (eq & (before == 0.0)).astype(jnp.int32)


def _sc_count_body(oh_hbm, cnt_hbm, chunk_v, cntrow_v):
    core = lax.axis_index("c")
    sid = lax.axis_index("s")
    tok0 = sid * _TPC
    pltpu.sync_copy(oh_hbm.at[core, pl.ds(tok0, _TPC), :], chunk_v)

    def pass1(i, counts):
        t = i * 8
        for k in range(8):
            counts = counts + chunk_v[t + k]
        return counts

    counts = lax.fori_loop(0, _TPC // 8, pass1, jnp.zeros((16,), jnp.int32))
    cntrow_v[...] = counts
    pltpu.sync_copy(cntrow_v, cnt_hbm.at[core, sid])


def _sc_emit_body(oh_hbm, cnt_hbm, ei_hbm, chunk_v, outbuf_v, allcnt_v):
    core = lax.axis_index("c")
    sid = lax.axis_index("s")
    tok0 = sid * _TPC
    pltpu.sync_copy(oh_hbm.at[core, pl.ds(tok0, _TPC), :], chunk_v)
    pltpu.sync_copy(cnt_hbm.at[core], allcnt_v)

    base = jnp.zeros((16,), jnp.int32)
    for j in range(16):
        msk = (jnp.zeros((16,), jnp.int32) + j - sid) >> 31
        base = base + (allcnt_v[j] & msk)

    def pass2(i, cnt):
        t = i * 8
        for k in range(8):
            sel = chunk_v[t + k]
            cnt = cnt + sel
            keep = (base + cnt - (_CAPACITY + 1)) >> 31
            outbuf_v[t + k] = sel & keep
        return cnt

    lax.fori_loop(0, _TPC // 8, pass2, jnp.zeros((16,), jnp.int32))
    pltpu.sync_copy(outbuf_v, ei_hbm.at[core, pl.ds(tok0, _TPC), :])


def kernel(hidden_states, W):
    G, T, H = hidden_states.shape
    E = W.shape[1]
    BT = 1024
    nb = T // BT

    pm, lg, oh = pl.pallas_call(
        _logit_body,
        grid=(G, nb),
        in_specs=(
            pl.BlockSpec((1, BT, H), lambda g, b: (g, b, 0)),
            pl.BlockSpec((H, E), lambda g, b: (0, 0)),
        ),
        out_specs=(
            pl.BlockSpec((1, BT, 1), lambda g, b: (g, b, 0)),
            pl.BlockSpec((1, BT, E), lambda g, b: (g, b, 0)),
            pl.BlockSpec((1, BT, E), lambda g, b: (g, b, 0)),
        ),
        out_shape=(
            jax.ShapeDtypeStruct((G, T, 1), jnp.float32),
            jax.ShapeDtypeStruct((G, T, E), jnp.float32),
            jax.ShapeDtypeStruct((G, T, E), jnp.int32),
        ),
        compiler_params=pltpu.CompilerParams(
            dimension_semantics=("arbitrary", "arbitrary"),
        ),
    )(hidden_states, W)

    mesh = plsc.VectorSubcoreMesh(core_axis_name="c", subcore_axis_name="s")
    count = pl.kernel(
        _sc_count_body,
        out_type=jax.ShapeDtypeStruct((G, 16, E), jnp.int32),
        mesh=mesh,
        scratch_types=[
            pltpu.VMEM((_TPC, E), jnp.int32),
            pltpu.VMEM((E,), jnp.int32),
        ],
    )
    emit = pl.kernel(
        _sc_emit_body,
        out_type=jax.ShapeDtypeStruct((G, T, E), jnp.int32),
        mesh=mesh,
        scratch_types=[
            pltpu.VMEM((_TPC, E), jnp.int32),
            pltpu.VMEM((_TPC, E), jnp.int32),
            pltpu.VMEM((16, E), jnp.int32),
        ],
    )
    cnts = count(oh)
    ei = emit(oh, cnts)
    return ei, pm, lg

# --- scband reference (transcript-rebuilt; emitter-appended) ---
"""Pipeline reference for scband-gptsan-japanese-top1-router-343597384008 (READ-ONLY COPY).

The authoritative reference and input builder live on the scoring server;
editing this copy changes nothing except your own understanding.
"""

import jax, jax.numpy as jnp
import numpy as np

NUM_EXPERTS = 16
EXPERT_CAPACITY = 512


def setup_inputs(seed: int = 0) -> dict:
    key = jax.random.key(seed)
    k1, k2 = jax.random.split(key)
    hidden_states = jax.random.normal(k1, (2, 4096, 2048), dtype=jnp.float32)
    # classifier weight: nn.Linear(hidden_size, num_experts, bias=False)
    W = jax.random.normal(k2, (2048, NUM_EXPERTS), dtype=jnp.float32) * 0.02
    return {"hidden_states": hidden_states, "W": W}


def reference(hidden_states, W):
    # router_dtype == float32, input already float32; eval mode so no jitter noise
    router_logits = jnp.einsum('gth,he->gte', hidden_states, W)
    router_probs = jax.nn.softmax(router_logits, axis=-1)
    # top-1 expert choice
    expert_idx = jnp.argmax(router_probs, axis=-1)
    expert_index = jax.nn.one_hot(expert_idx, NUM_EXPERTS, dtype=jnp.int32)
    # token priority = cumulative count of tokens assigned to each expert (over token dim)
    token_priority = jnp.cumsum(expert_index, axis=-2)
    expert_capacity_mask = token_priority <= EXPERT_CAPACITY
    expert_index = expert_index * expert_capacity_mask.astype(expert_index.dtype)
    router_probs_max = jnp.max(router_probs, axis=-1, keepdims=True)
    return (expert_index, router_probs_max, router_logits)

if __name__ == "__main__":
    import jax
    _d = setup_inputs()
    print(jax.jit(kernel)(*tuple(_d.values())))

</pallas_src>

<mosaic_0001>
#map = affine_map<(d0, d1) -> (0, 0, 0)>
module attributes {stable_mosaic.version = 14 : i64} {
  func.func @_sc_emit_body(%arg0: i32, %arg1: i32, %arg2: memref<2x4096x16xi32, #tpu.memory_space<hbm>>, %arg3: memref<2x16x16xi32, #tpu.memory_space<hbm>>, %arg4: memref<2x4096x16xi32, #tpu.memory_space<hbm>>, %arg5: memref<256x16xi32, #tpu.memory_space<vmem>>, %arg6: memref<256x16xi32, #tpu.memory_space<vmem>>, %arg7: memref<16x16xi32, #tpu.memory_space<vmem>>) attributes {dimension_semantics = [#tpu.dimension_semantics<core_parallel>, #tpu.dimension_semantics<subcore_parallel>], iteration_bounds = array<i64: 2, 16>, scalar_prefetch = 0 : i64, scratch_operands = 3 : i64, tpu.core_type = #tpu.core_type<sc_vector_subcore>, window_params = [{transform_indices = #map}, {transform_indices = #map}, {transform_indices = #map}]} {
    %mul3A = arith.constant 256 : i32
    %mul3A_0 = arith.muli %arg1, %mul3A : i32
    "tpu.region"() ({
      %run_scoped3A = tpu.sem_alloc : memref<!tpu.dma_semaphore, #tpu.memory_space<semaphore_mem>>
      %dma_start3A = arith.constant 0 : i32
      %dma_start3A_276 = tpu.memref_slice %arg2[%arg0, %mul3A_0, %dma_start3A] : memref<2x4096x16xi32, #tpu.memory_space<hbm>> -> memref<1x256x16xi32, #tpu.memory_space<hbm>>
      %dma_start3A_277 = tpu.memref_squeeze %dma_start3A_276 : memref<1x256x16xi32, #tpu.memory_space<hbm>> -> memref<256x16xi32, #tpu.memory_space<hbm>>
      %dma_start3A_278 = arith.constant 0 : i32
      %dma_start3A_279 = tpu.memref_slice %arg2[%arg0, %mul3A_0, %dma_start3A_278] : memref<2x4096x16xi32, #tpu.memory_space<hbm>> -> memref<1x256x16xi32, #tpu.memory_space<hbm>>
      %dma_start3A_280 = tpu.memref_squeeze %dma_start3A_279 : memref<1x256x16xi32, #tpu.memory_space<hbm>> -> memref<256x16xi32, #tpu.memory_space<hbm>>
      tpu.enqueue_dma source(%dma_start3A_280 : memref<256x16xi32, #tpu.memory_space<hbm>>) target(%arg5 : memref<256x16xi32, #tpu.memory_space<vmem>>) target_semaphore(%run_scoped3A : memref<!tpu.dma_semaphore, #tpu.memory_space<semaphore_mem>>)
      %dma_wait3A = arith.constant 0 : i32
      %dma_wait3A_281 = tpu.memref_slice %arg2[%arg0, %mul3A_0, %dma_wait3A] : memref<2x4096x16xi32, #tpu.memory_space<hbm>> -> memref<1x256x16xi32, #tpu.memory_space<hbm>>
      %dma_wait3A_282 = tpu.memref_squeeze %dma_wait3A_281 : memref<1x256x16xi32, #tpu.memory_space<hbm>> -> memref<256x16xi32, #tpu.memory_space<hbm>>
      %dma_wait3A_283 = arith.constant 0 : i32
      %dma_wait3A_284 = tpu.memref_slice %arg2[%arg0, %mul3A_0, %dma_wait3A_283] : memref<2x4096x16xi32, #tpu.memory_space<hbm>> -> memref<1x256x16xi32, #tpu.memory_space<hbm>>
      %dma_wait3A_285 = tpu.memref_squeeze %dma_wait3A_284 : memref<1x256x16xi32, #tpu.memory_space<hbm>> -> memref<256x16xi32, #tpu.memory_space<hbm>>
      tpu.wait_dma2 semaphore(%run_scoped3A : memref<!tpu.dma_semaphore, #tpu.memory_space<semaphore_mem>>) src(%dma_wait3A_285 : memref<256x16xi32, #tpu.memory_space<hbm>>) dst(%arg5 : memref<256x16xi32, #tpu.memory_space<vmem>>)
      tpu.yield
    }) : () -> ()
    "tpu.region"() ({
      %run_scoped3A = tpu.sem_alloc : memref<!tpu.dma_semaphore, #tpu.memory_space<semaphore_mem>>
      %dma_start3A = arith.constant 0 : i32
      %dma_start3A_276 = arith.constant 0 : i32
      %dma_start3A_277 = tpu.memref_slice %arg3[%arg0, %dma_start3A, %dma_start3A_276] : memref<2x16x16xi32, #tpu.memory_space<hbm>> -> memref<1x16x16xi32, #tpu.memory_space<hbm>>
      %dma_start3A_278 = tpu.memref_squeeze %dma_start3A_277 : memref<1x16x16xi32, #tpu.memory_space<hbm>> -> memref<16x16xi32, #tpu.memory_space<hbm>>
      %dma_start3A_279 = arith.constant 0 : i32
      %dma_start3A_280 = arith.constant 0 : i32
      %dma_start3A_281 = tpu.memref_slice %arg3[%arg0, %dma_start3A_279, %dma_start3A_280] : memref<2x16x16xi32, #tpu.memory_space<hbm>> -> memref<1x16x16xi32, #tpu.memory_space<hbm>>
      %dma_start3A_282 = tpu.memref_squeeze %dma_start3A_281 : memref<1x16x16xi32, #tpu.memory_space<hbm>> -> memref<16x16xi32, #tpu.memory_space<hbm>>
      tpu.enqueue_dma source(%dma_start3A_282 : memref<16x16xi32, #tpu.memory_space<hbm>>) target(%arg7 : memref<16x16xi32, #tpu.memory_space<vmem>>) target_semaphore(%run_scoped3A : memref<!tpu.dma_semaphore, #tpu.memory_space<semaphore_mem>>)
      %dma_wait3A = arith.constant 0 : i32
      %dma_wait3A_283 = arith.constant 0 : i32
      %dma_wait3A_284 = tpu.memref_slice %arg3[%arg0, %dma_wait3A, %dma_wait3A_283] : memref<2x16x16xi32, #tpu.memory_space<hbm>> -> memref<1x16x16xi32, #tpu.memory_space<hbm>>
      %dma_wait3A_285 = tpu.memref_squeeze %dma_wait3A_284 : memref<1x16x16xi32, #tpu.memory_space<hbm>> -> memref<16x16xi32, #tpu.memory_space<hbm>>
      %dma_wait3A_286 = arith.constant 0 : i32
      %dma_wait3A_287 = arith.constant 0 : i32
      %dma_wait3A_288 = tpu.memref_slice %arg3[%arg0, %dma_wait3A_286, %dma_wait3A_287] : memref<2x16x16xi32, #tpu.memory_space<hbm>> -> memref<1x16x16xi32, #tpu.memory_space<hbm>>
      %dma_wait3A_289 = tpu.memref_squeeze %dma_wait3A_288 : memref<1x16x16xi32, #tpu.memory_space<hbm>> -> memref<16x16xi32, #tpu.memory_space<hbm>>
      tpu.wait_dma2 semaphore(%run_scoped3A : memref<!tpu.dma_semaphore, #tpu.memory_space<semaphore_mem>>) src(%dma_wait3A_289 : memref<16x16xi32, #tpu.memory_space<hbm>>) dst(%arg7 : memref<16x16xi32, #tpu.memory_space<vmem>>)
      tpu.yield
    }) : () -> ()
    %broadcast_in_dim3A = arith.constant 0 : i32
    %broadcast_in_dim3A_1 = vector.broadcast %broadcast_in_dim3A : i32 to vector<16xi32>
    %broadcast_in_dim3A_2 = arith.constant 0 : i32
    %broadcast_in_dim3A_3 = vector.broadcast %broadcast_in_dim3A_2 : i32 to vector<16xi32>
    %add3A = arith.constant 0 : i32
    %add3A_4 = vector.broadcast %add3A : i32 to vector<16xi32>
    %add3A_5 = arith.addi %broadcast_in_dim3A_3, %add3A_4 : vector<16xi32>
    %sub3A = vector.broadcast %arg1 : i32 to vector<16xi32>
    %sub3A_6 = arith.subi %add3A_5, %sub3A : vector<16xi32>
    %shift_right_arithmetic3A = arith.constant 31 : i32
    %shift_right_arithmetic3A_7 = vector.broadcast %shift_right_arithmetic3A : i32 to vector<16xi32>
    %shift_right_arithmetic3A_8 = arith.shrsi %sub3A_6, %shift_right_arithmetic3A_7 : vector<16xi32>
    %get3A = arith.constant 0 : i32
    %get3A_9 = arith.index_cast %get3A : i32 to index
    %get3A_10 = arith.constant 0 : index
    %get3A_11 = tpu.vector_load %arg7[%get3A_9, %get3A_10] {strides = array<i32>} : memref<16x16xi32, #tpu.memory_space<vmem>>, vector<1x16xi32>,
    %get3A_12 = vector.shape_cast %get3A_11 : vector<1x16xi32> to vector<16xi32>
    %and3A = arith.andi %get3A_12, %shift_right_arithmetic3A_8 : vector<16xi32>
    %add3A_13 = arith.addi %broadcast_in_dim3A_1, %and3A : vector<16xi32>
    %broadcast_in_dim3A_14 = arith.constant 0 : i32
    %broadcast_in_dim3A_15 = vector.broadcast %broadcast_in_dim3A_14 : i32 to vector<16xi32>
    %add3A_16 = arith.constant 1 : i32
    %add3A_17 = vector.broadcast %add3A_16 : i32 to vector<16xi32>
    %add3A_18 = arith.addi %broadcast_in_dim3A_15, %add3A_17 : vector<16xi32>
    %sub3A_19 = vector.broadcast %arg1 : i32 to vector<16xi32>
    %sub3A_20 = arith.subi %add3A_18, %sub3A_19 : vector<16xi32>
    %shift_right_arithmetic3A_21 = arith.constant 31 : i32
    %shift_right_arithmetic3A_22 = vector.broadcast %shift_right_arithmetic3A_21 : i32 to vector<16xi32>
    %shift_right_arithmetic3A_23 = arith.shrsi %sub3A_20, %shift_right_arithmetic3A_22 : vector<16xi32>
    %get3A_24 = arith.constant 1 : i32
    %get3A_25 = arith.index_cast %get3A_24 : i32 to index
    %get3A_26 = arith.constant 0 : index
    %get3A_27 = tpu.vector_load %arg7[%get3A_25, %get3A_26] {strides = array<i32>} : memref<16x16xi32, #tpu.memory_space<vmem>>, vector<1x16xi32>,
    %get3A_28 = vector.shape_cast %get3A_27 : vector<1x16xi32> to vector<16xi32>
    %and3A_29 = arith.andi %get3A_28, %shift_right_arithmetic3A_23 : vector<16xi32>
    %add3A_30 = arith.addi %add3A_13, %and3A_29 : vector<16xi32>
    %broadcast_in_dim3A_31 = arith.constant 0 : i32
    %broadcast_in_dim3A_32 = vector.broadcast %broadcast_in_dim3A_31 : i32 to vector<16xi32>
    %add3A_33 = arith.constant 2 : i32
    %add3A_34 = vector.broadcast %add3A_33 : i32 to vector<16xi32>
    %add3A_35 = arith.addi %broadcast_in_dim3A_32, %add3A_34 : vector<16xi32>
    %sub3A_36 = vector.broadcast %arg1 : i32 to vector<16xi32>
    %sub3A_37 = arith.subi %add3A_35, %sub3A_36 : vector<16xi32>
    %shift_right_arithmetic3A_38 = arith.constant 31 : i32
    %shift_right_arithmetic3A_39 = vector.broadcast %shift_right_arithmetic3A_38 : i32 to vector<16xi32>
    %shift_right_arithmetic3A_40 = arith.shrsi %sub3A_37, %shift_right_arithmetic3A_39 : vector<16xi32>
    %get3A_41 = arith.constant 2 : i32
    %get3A_42 = arith.index_cast %get3A_41 : i32 to index
    %get3A_43 = arith.constant 0 : index
    %get3A_44 = tpu.vector_load %arg7[%get3A_42, %get3A_43] {strides = array<i32>} : memref<16x16xi32, #tpu.memory_space<vmem>>, vector<1x16xi32>,
    %get3A_45 = vector.shape_cast %get3A_44 : vector<1x16xi32> to vector<16xi32>
    %and3A_46 = arith.andi %get3A_45, %shift_right_arithmetic3A_40 : vector<16xi32>
    %add3A_47 = arith.addi %add3A_30, %and3A_46 : vector<16xi32>
    %broadcast_in_dim3A_48 = arith.constant 0 : i32
    %broadcast_in_dim3A_49 = vector.broadcast %broadcast_in_dim3A_48 : i32 to vector<16xi32>
    %add3A_50 = arith.constant 3 : i32
    %add3A_51 = vector.broadcast %add3A_50 : i32 to vector<16xi32>
    %add3A_52 = arith.addi %broadcast_in_dim3A_49, %add3A_51 : vector<16xi32>
    %sub3A_53 = vector.broadcast %arg1 : i32 to vector<16xi32>
    %sub3A_54 = arith.subi %add3A_52, %sub3A_53 : vector<16xi32>
    %shift_right_arithmetic3A_55 = arith.constant 31 : i32
    %shift_right_arithmetic3A_56 = vector.broadcast %shift_right_arithmetic3A_55 : i32 to vector<16xi32>
    %shift_right_arithmetic3A_57 = arith.shrsi %sub3A_54, %shift_right_arithmetic3A_56 : vector<16xi32>
    %get3A_58 = arith.constant 3 : i32
    %get3A_59 = arith.index_cast %get3A_58 : i32 to index
    %get3A_60 = arith.constant 0 : index
    %get3A_61 = tpu.vector_load %arg7[%get3A_59, %get3A_60] {strides = array<i32>} : memref<16x16xi32, #tpu.memory_space<vmem>>, vector<1x16xi32>,
    %get3A_62 = vector.shape_cast %get3A_61 : vector<1x16xi32> to vector<16xi32>
    %and3A_63 = arith.andi %get3A_62, %shift_right_arithmetic3A_57 : vector<16xi32>
    %add3A_64 = arith.addi %add3A_47, %and3A_63 : vector<16xi32>
    %broadcast_in_dim3A_65 = arith.constant 0 : i32
    %broadcast_in_dim3A_66 = vector.broadcast %broadcast_in_dim3A_65 : i32 to vector<16xi32>
    %add3A_67 = arith.constant 4 : i32
    %add3A_68 = vector.broadcast %add3A_67 : i32 to vector<16xi32>
    %add3A_69 = arith.addi %broadcast_in_dim3A_66, %add3A_68 : vector<16xi32>
    %sub3A_70 = vector.broadcast %arg1 : i32 to vector<16xi32>
    %sub3A_71 = arith.subi %add3A_69, %sub3A_70 : vector<16xi32>
    %shift_right_arithmetic3A_72 = arith.constant 31 : i32
    %shift_right_arithmetic3A_73 = vector.broadcast %shift_right_arithmetic3A_72 : i32 to vector<16xi32>
    %shift_right_arithmetic3A_74 = arith.shrsi %sub3A_71, %shift_right_arithmetic3A_73 : vector<16xi32>
    %get3A_75 = arith.constant 4 : i32
    %get3A_76 = arith.index_cast %get3A_75 : i32 to index
    %get3A_77 = arith.constant 0 : index
    %get3A_78 = tpu.vector_load %arg7[%get3A_76, %get3A_77] {strides = array<i32>} : memref<16x16xi32, #tpu.memory_space<vmem>>, vector<1x16xi32>,
    %get3A_79 = vector.shape_cast %get3A_78 : vector<1x16xi32> to vector<16xi32>
    %and3A_80 = arith.andi %get3A_79, %shift_right_arithmetic3A_74 : vector<16xi32>
    %add3A_81 = arith.addi %add3A_64, %and3A_80 : vector<16xi32>
    %broadcast_in_dim3A_82 = arith.constant 0 : i32
    %broadcast_in_dim3A_83 = vector.broadcast %broadcast_in_dim3A_82 : i32 to vector<16xi32>
    %add3A_84 = arith.constant 5 : i32
    %add3A_85 = vector.broadcast %add3A_84 : i32 to vector<16xi32>
    %add3A_86 = arith.addi %broadcast_in_dim3A_83, %add3A_85 : vector<16xi32>
    %sub3A_87 = vector.broadcast %arg1 : i32 to vector<16xi32>
    %sub3A_88 = arith.subi %add3A_86, %sub3A_87 : vector<16xi32>
    %shift_right_arithmetic3A_89 = arith.constant 31 : i32
    %shift_right_arithmetic3A_90 = vector.broadcast %shift_right_arithmetic3A_89 : i32 to vector<16xi32>
    %shift_right_arithmetic3A_91 = arith.shrsi %sub3A_88, %shift_right_arithmetic3A_90 : vector<16xi32>
    %get3A_92 = arith.constant 5 : i32
    %get3A_93 = arith.index_cast %get3A_92 : i32 to index
    %get3A_94 = arith.constant 0 : index
    %get3A_95 = tpu.vector_load %arg7[%get3A_93, %get3A_94] {strides = array<i32>} : memref<16x16xi32, #tpu.memory_space<vmem>>, vector<1x16xi32>,
    %get3A_96 = vector.shape_cast %get3A_95 : vector<1x16xi32> to vector<16xi32>
    %and3A_97 = arith.andi %get3A_96, %shift_right_arithmetic3A_91 : vector<16xi32>
    %add3A_98 = arith.addi %add3A_81, %and3A_97 : vector<16xi32>
    %broadcast_in_dim3A_99 = arith.constant 0 : i32
    %broadcast_in_dim3A_100 = vector.broadcast %broadcast_in_dim3A_99 : i32 to vector<16xi32>
    %add3A_101 = arith.constant 6 : i32
    %add3A_102 = vector.broadcast %add3A_101 : i32 to vector<16xi32>
    %add3A_103 = arith.addi %broadcast_in_dim3A_100, %add3A_102 : vector<16xi32>
    %sub3A_104 = vector.broadcast %arg1 : i32 to vector<16xi32>
    %sub3A_105 = arith.subi %add3A_103, %sub3A_104 : vector<16xi32>
    %shift_right_arithmetic3A_106 = arith.constant 31 : i32
    %shift_right_arithmetic3A_107 = vector.broadcast %shift_right_arithmetic3A_106 : i32 to vector<16xi32>
    %shift_right_arithmetic3A_108 = arith.shrsi %sub3A_105, %shift_right_arithmetic3A_107 : vector<16xi32>
    %get3A_109 = arith.constant 6 : i32
    %get3A_110 = arith.index_cast %get3A_109 : i32 to index
    %get3A_111 = arith.constant 0 : index
    %get3A_112 = tpu.vector_load %arg7[%get3A_110, %get3A_111] {strides = array<i32>} : memref<16x16xi32, #tpu.memory_space<vmem>>, vector<1x16xi32>,
    %get3A_113 = vector.shape_cast %get3A_112 : vector<1x16xi32> to vector<16xi32>
    %and3A_114 = arith.andi %get3A_113, %shift_right_arithmetic3A_108 : vector<16xi32>
    %add3A_115 = arith.addi %add3A_98, %and3A_114 : vector<16xi32>
    %broadcast_in_dim3A_116 = arith.constant 0 : i32
    %broadcast_in_dim3A_117 = vector.broadcast %broadcast_in_dim3A_116 : i32 to vector<16xi32>
    %add3A_118 = arith.constant 7 : i32
    %add3A_119 = vector.broadcast %add3A_118 : i32 to vector<16xi32>
    %add3A_120 = arith.addi %broadcast_in_dim3A_117, %add3A_119 : vector<16xi32>
    %sub3A_121 = vector.broadcast %arg1 : i32 to vector<16xi32>
    %sub3A_122 = arith.subi %add3A_120, %sub3A_121 : vector<16xi32>
    %shift_right_arithmetic3A_123 = arith.constant 31 : i32
    %shift_right_arithmetic3A_124 = vector.broadcast %shift_right_arithmetic3A_123 : i32 to vector<16xi32>
    %shift_right_arithmetic3A_125 = arith.shrsi %sub3A_122, %shift_right_arithmetic3A_124 : vector<16xi32>
    %get3A_126 = arith.constant 7 : i32
    %get3A_127 = arith.index_cast %get3A_126 : i32 to index
    %get3A_128 = arith.constant 0 : index
    %get3A_129 = tpu.vector_load %arg7[%get3A_127, %get3A_128] {strides = array<i32>} : memref<16x16xi32, #tpu.memory_space<vmem>>, vector<1x16xi32>,
    %get3A_130 = vector.shape_cast %get3A_129 : vector<1x16xi32> to vector<16xi32>
    %and3A_131 = arith.andi %get3A_130, %shift_right_arithmetic3A_125 : vector<16xi32>
    %add3A_132 = arith.addi %add3A_115, %and3A_131 : vector<16xi32>
    %broadcast_in_dim3A_133 = arith.constant 0 : i32
    %broadcast_in_dim3A_134 = vector.broadcast %broadcast_in_dim3A_133 : i32 to vector<16xi32>
    %add3A_135 = arith.constant 8 : i32
    %add3A_136 = vector.broadcast %add3A_135 : i32 to vector<16xi32>
    %add3A_137 = arith.addi %broadcast_in_dim3A_134, %add3A_136 : vector<16xi32>
    %sub3A_138 = vector.broadcast %arg1 : i32 to vector<16xi32>
    %sub3A_139 = arith.subi %add3A_137, %sub3A_138 : vector<16xi32>
    %shift_right_arithmetic3A_140 = arith.constant 31 : i32
    %shift_right_arithmetic3A_141 = vector.broadcast %shift_right_arithmetic3A_140 : i32 to vector<16xi32>
    %shift_right_arithmetic3A_142 = arith.shrsi %sub3A_139, %shift_right_arithmetic3A_141 : vector<16xi32>
    %get3A_143 = arith.constant 8 : i32
    %get3A_144 = arith.index_cast %get3A_143 : i32 to index
    %get3A_145 = arith.constant 0 : index
    %get3A_146 = tpu.vector_load %arg7[%get3A_144, %get3A_145] {strides = array<i32>} : memref<16x16xi32, #tpu.memory_space<vmem>>, vector<1x16xi32>,
    %get3A_147 = vector.shape_cast %get3A_146 : vector<1x16xi32> to vector<16xi32>
    %and3A_148 = arith.andi %get3A_147, %shift_right_arithmetic3A_142 : vector<16xi32>
    %add3A_149 = arith.addi %add3A_132, %and3A_148 : vector<16xi32>
    %broadcast_in_dim3A_150 = arith.constant 0 : i32
    %broadcast_in_dim3A_151 = vector.broadcast %broadcast_in_dim3A_150 : i32 to vector<16xi32>
    %add3A_152 = arith.constant 9 : i32
    %add3A_153 = vector.broadcast %add3A_152 : i32 to vector<16xi32>
    %add3A_154 = arith.addi %broadcast_in_dim3A_151, %add3A_153 : vector<16xi32>
    %sub3A_155 = vector.broadcast %arg1 : i32 to vector<16xi32>
    %sub3A_156 = arith.subi %add3A_154, %sub3A_155 : vector<16xi32>
    %shift_right_arithmetic3A_157 = arith.constant 31 : i32
    %shift_right_arithmetic3A_158 = vector.broadcast %shift_right_arithmetic3A_157 : i32 to vector<16xi32>
    %shift_right_arithmetic3A_159 = arith.shrsi %sub3A_156, %shift_right_arithmetic3A_158 : vector<16xi32>
    %get3A_160 = arith.constant 9 : i32
    %get3A_161 = arith.index_cast %get3A_160 : i32 to index
    %get3A_162 = arith.constant 0 : index
    %get3A_163 = tpu.vector_load %arg7[%get3A_161, %get3A_162] {strides = array<i32>} : memref<16x16xi32, #tpu.memory_space<vmem>>, vector<1x16xi32>,
    %get3A_164 = vector.shape_cast %get3A_163 : vector<1x16xi32> to vector<16xi32>
    %and3A_165 = arith.andi %get3A_164, %shift_right_arithmetic3A_159 : vector<16xi32>
    %add3A_166 = arith.addi %add3A_149, %and3A_165 : vector<16xi32>
    %broadcast_in_dim3A_167 = arith.constant 0 : i32
    %broadcast_in_dim3A_168 = vector.broadcast %broadcast_in_dim3A_167 : i32 to vector<16xi32>
    %add3A_169 = arith.constant 10 : i32
    %add3A_170 = vector.broadcast %add3A_169 : i32 to vector<16xi32>
    %add3A_171 = arith.addi %broadcast_in_dim3A_168, %add3A_170 : vector<16xi32>
    %sub3A_172 = vector.broadcast %arg1 : i32 to vector<16xi32>
    %sub3A_173 = arith.subi %add3A_171, %sub3A_172 : vector<16xi32>
    %shift_right_arithmetic3A_174 = arith.constant 31 : i32
    %shift_right_arithmetic3A_175 = vector.broadcast %shift_right_arithmetic3A_174 : i32 to vector<16xi32>
    %shift_right_arithmetic3A_176 = arith.shrsi %sub3A_173, %shift_right_arithmetic3A_175 : vector<16xi32>
    %get3A_177 = arith.constant 10 : i32
    %get3A_178 = arith.index_cast %get3A_177 : i32 to index
    %get3A_179 = arith.constant 0 : index
    %get3A_180 = tpu.vector_load %arg7[%get3A_178, %get3A_179] {strides = array<i32>} : memref<16x16xi32, #tpu.memory_space<vmem>>, vector<1x16xi32>,
    %get3A_181 = vector.shape_cast %get3A_180 : vector<1x16xi32> to vector<16xi32>
    %and3A_182 = arith.andi %get3A_181, %shift_right_arithmetic3A_176 : vector<16xi32>
    %add3A_183 = arith.addi %add3A_166, %and3A_182 : vector<16xi32>
    %broadcast_in_dim3A_184 = arith.constant 0 : i32
    %broadcast_in_dim3A_185 = vector.broadcast %broadcast_in_dim3A_184 : i32 to vector<16xi32>
    %add3A_186 = arith.constant 11 : i32
    %add3A_187 = vector.broadcast %add3A_186 : i32 to vector<16xi32>
    %add3A_188 = arith.addi %broadcast_in_dim3A_185, %add3A_187 : vector<16xi32>
    %sub3A_189 = vector.broadcast %arg1 : i32 to vector<16xi32>
    %sub3A_190 = arith.subi %add3A_188, %sub3A_189 : vector<16xi32>
    %shift_right_arithmetic3A_191 = arith.constant 31 : i32
    %shift_right_arithmetic3A_192 = vector.broadcast %shift_right_arithmetic3A_191 : i32 to vector<16xi32>
    %shift_right_arithmetic3A_193 = arith.shrsi %sub3A_190, %shift_right_arithmetic3A_192 : vector<16xi32>
    %get3A_194 = arith.constant 11 : i32
    %get3A_195 = arith.index_cast %get3A_194 : i32 to index
    %get3A_196 = arith.constant 0 : index
    %get3A_197 = tpu.vector_load %arg7[%get3A_195, %get3A_196] {strides = array<i32>} : memref<16x16xi32, #tpu.memory_space<vmem>>, vector<1x16xi32>,
    %get3A_198 = vector.shape_cast %get3A_197 : vector<1x16xi32> to vector<16xi32>
    %and3A_199 = arith.andi %get3A_198, %shift_right_arithmetic3A_193 : vector<16xi32>
    %add3A_200 = arith.addi %add3A_183, %and3A_199 : vector<16xi32>
    %broadcast_in_dim3A_201 = arith.constant 0 : i32
    %broadcast_in_dim3A_202 = vector.broadcast %broadcast_in_dim3A_201 : i32 to vector<16xi32>
    %add3A_203 = arith.constant 12 : i32
    %add3A_204 = vector.broadcast %add3A_203 : i32 to vector<16xi32>
    %add3A_205 = arith.addi %broadcast_in_dim3A_202, %add3A_204 : vector<16xi32>
    %sub3A_206 = vector.broadcast %arg1 : i32 to vector<16xi32>
    %sub3A_207 = arith.subi %add3A_205, %sub3A_206 : vector<16xi32>
    %shift_right_arithmetic3A_208 = arith.constant 31 : i32
    %shift_right_arithmetic3A_209 = vector.broadcast %shift_right_arithmetic3A_208 : i32 to vector<16xi32>
    %shift_right_arithmetic3A_210 = arith.shrsi %sub3A_207, %shift_right_arithmetic3A_209 : vector<16xi32>
    %get3A_211 = arith.constant 12 : i32
    %get3A_212 = arith.index_cast %get3A_211 : i32 to index
    %get3A_213 = arith.constant 0 : index
    %get3A_214 = tpu.vector_load %arg7[%get3A_212, %get3A_213] {strides = array<i32>} : memref<16x16xi32, #tpu.memory_space<vmem>>, vector<1x16xi32>,
    %get3A_215 = vector.shape_cast %get3A_214 : vector<1x16xi32> to vector<16xi32>
    %and3A_216 = arith.andi %get3A_215, %shift_right_arithmetic3A_210 : vector<16xi32>
    %add3A_217 = arith.addi %add3A_200, %and3A_216 : vector<16xi32>
    %broadcast_in_dim3A_218 = arith.constant 0 : i32
    %broadcast_in_dim3A_219 = vector.broadcast %broadcast_in_dim3A_218 : i32 to vector<16xi32>
    %add3A_220 = arith.constant 13 : i32
    %add3A_221 = vector.broadcast %add3A_220 : i32 to vector<16xi32>
    %add3A_222 = arith.addi %broadcast_in_dim3A_219, %add3A_221 : vector<16xi32>
    %sub3A_223 = vector.broadcast %arg1 : i32 to vector<16xi32>
    %sub3A_224 = arith.subi %add3A_222, %sub3A_223 : vector<16xi32>
    %shift_right_arithmetic3A_225 = arith.constant 31 : i32
    %shift_right_arithmetic3A_226 = vector.broadcast %shift_right_arithmetic3A_225 : i32 to vector<16xi32>
    %shift_right_arithmetic3A_227 = arith.shrsi %sub3A_224, %shift_right_arithmetic3A_226 : vector<16xi32>
    %get3A_228 = arith.constant 13 : i32
    %get3A_229 = arith.index_cast %get3A_228 : i32 to index
    %get3A_230 = arith.constant 0 : index
    %get3A_231 = tpu.vector_load %arg7[%get3A_229, %get3A_230] {strides = array<i32>} : memref<16x16xi32, #tpu.memory_space<vmem>>, vector<1x16xi32>,
    %get3A_232 = vector.shape_cast %get3A_231 : vector<1x16xi32> to vector<16xi32>
    %and3A_233 = arith.andi %get3A_232, %shift_right_arithmetic3A_227 : vector<16xi32>
    %add3A_234 = arith.addi %add3A_217, %and3A_233 : vector<16xi32>
    %broadcast_in_dim3A_235 = arith.constant 0 : i32
    %broadcast_in_dim3A_236 = vector.broadcast %broadcast_in_dim3A_235 : i32 to vector<16xi32>
    %add3A_237 = arith.constant 14 : i32
    %add3A_238 = vector.broadcast %add3A_237 : i32 to vector<16xi32>
    %add3A_239 = arith.addi %broadcast_in_dim3A_236, %add3A_238 : vector<16xi32>
    %sub3A_240 = vector.broadcast %arg1 : i32 to vector<16xi32>
    %sub3A_241 = arith.subi %add3A_239, %sub3A_240 : vector<16xi32>
    %shift_right_arithmetic3A_242 = arith.constant 31 : i32
    %shift_right_arithmetic3A_243 = vector.broadcast %shift_right_arithmetic3A_242 : i32 to vector<16xi32>
    %shift_right_arithmetic3A_244 = arith.shrsi %sub3A_241, %shift_right_arithmetic3A_243 : vector<16xi32>
    %get3A_245 = arith.constant 14 : i32
    %get3A_246 = arith.index_cast %get3A_245 : i32 to index
    %get3A_247 = arith.constant 0 : index
    %get3A_248 = tpu.vector_load %arg7[%get3A_246, %get3A_247] {strides = array<i32>} : memref<16x16xi32, #tpu.memory_space<vmem>>, vector<1x16xi32>,
    %get3A_249 = vector.shape_cast %get3A_248 : vector<1x16xi32> to vector<16xi32>
    %and3A_250 = arith.andi %get3A_249, %shift_right_arithmetic3A_244 : vector<16xi32>
    %add3A_251 = arith.addi %add3A_234, %and3A_250 : vector<16xi32>
    %broadcast_in_dim3A_252 = arith.constant 0 : i32
    %broadcast_in_dim3A_253 = vector.broadcast %broadcast_in_dim3A_252 : i32 to vector<16xi32>
    %add3A_254 = arith.constant 15 : i32
    %add3A_255 = vector.broadcast %add3A_254 : i32 to vector<16xi32>
    %add3A_256 = arith.addi %broadcast_in_dim3A_253, %add3A_255 : vector<16xi32>
    %sub3A_257 = vector.broadcast %arg1 : i32 to vector<16xi32>
    %sub3A_258 = arith.subi %add3A_256, %sub3A_257 : vector<16xi32>
    %shift_right_arithmetic3A_259 = arith.constant 31 : i32
    %shift_right_arithmetic3A_260 = vector.broadcast %shift_right_arithmetic3A_259 : i32 to vector<16xi32>
    %shift_right_arithmetic3A_261 = arith.shrsi %sub3A_258, %shift_right_arithmetic3A_260 : vector<16xi32>
    %get3A_262 = arith.constant 15 : i32
    %get3A_263 = arith.index_cast %get3A_262 : i32 to index
    %get3A_264 = arith.constant 0 : index
    %get3A_265 = tpu.vector_load %arg7[%get3A_263, %get3A_264] {strides = array<i32>} : memref<16x16xi32, #tpu.memory_space<vmem>>, vector<1x16xi32>,
    %get3A_266 = vector.shape_cast %get3A_265 : vector<1x16xi32> to vector<16xi32>
    %and3A_267 = arith.andi %get3A_266, %shift_right_arithmetic3A_261 : vector<16xi32>
    %add3A_268 = arith.addi %add3A_251, %and3A_267 : vector<16xi32>
    %broadcast_in_dim3A_269 = arith.constant 0 : i32
    %broadcast_in_dim3A_270 = vector.broadcast %broadcast_in_dim3A_269 : i32 to vector<16xi32>
    %scan3A = arith.constant 0 : i32
    %scan3A_271 = arith.constant 32 : i32
    %scan3A_272 = arith.addi %scan3A, %scan3A_271 : i32
    %scan3A_273 = arith.constant 1 : i32
    %scan3A_274 = scf.for %scan3A_276 = %scan3A to %scan3A_272 step %scan3A_273 iter_args(%scan3A_277 = %broadcast_in_dim3A_270) -> (vector<16xi32>)  : i32 {
      %mul3A_278 = arith.constant 8 : i32
      %mul3A_279 = arith.muli %scan3A_276, %mul3A_278 : i32
      %add3A_280 = arith.constant 0 : i32
      %add3A_281 = arith.addi %mul3A_279, %add3A_280 : i32
      %get3A_282 = arith.index_cast %add3A_281 : i32 to index
      %get3A_283 = arith.constant 0 : index
      %get3A_284 = tpu.vector_load %arg5[%get3A_282, %get3A_283] {strides = array<i32>} : memref<256x16xi32, #tpu.memory_space<vmem>>, vector<1x16xi32>,
      %get3A_285 = vector.shape_cast %get3A_284 : vector<1x16xi32> to vector<16xi32>
      %add3A_286 = arith.addi %scan3A_277, %get3A_285 : vector<16xi32>
      %add3A_287 = arith.addi %add3A_268, %add3A_286 : vector<16xi32>
      %sub3A_288 = arith.constant 513 : i32
      %sub3A_289 = vector.broadcast %sub3A_288 : i32 to vector<16xi32>
      %sub3A_290 = arith.subi %add3A_287, %sub3A_289 : vector<16xi32>
      %shift_right_arithmetic3A_291 = arith.constant 31 : i32
      %shift_right_arithmetic3A_292 = vector.broadcast %shift_right_arithmetic3A_291 : i32 to vector<16xi32>
      %shift_right_arithmetic3A_293 = arith.shrsi %sub3A_290, %shift_right_arithmetic3A_292 : vector<16xi32>
      %and3A_294 = arith.andi %get3A_285, %shift_right_arithmetic3A_293 : vector<16xi32>
      %add3A_295 = arith.constant 0 : i32
      %add3A_296 = arith.addi %mul3A_279, %add3A_295 : i32
      %swap3A = arith.index_cast %add3A_296 : i32 to index
      %swap3A_297 = arith.constant 0 : index
      %swap3A_298 = tpu.vector_load %arg6[%swap3A, %swap3A_297] {strides = array<i32>} : memref<256x16xi32, #tpu.memory_space<vmem>>, vector<1x16xi32>,
      %swap3A_299 = vector.shape_cast %swap3A_298 : vector<1x16xi32> to vector<16xi32>
      %swap3A_300 = vector.shape_cast %and3A_294 : vector<16xi32> to vector<1x16xi32>
      tpu.vector_store %arg6[%swap3A, %swap3A_297], %swap3A_300 {strides = array<i32>} : memref<256x16xi32, #tpu.memory_space<vmem>>, vector<1x16xi32>,
      %add3A_301 = arith.constant 1 : i32
      %add3A_302 = arith.addi %mul3A_279, %add3A_301 : i32
      %get3A_303 = arith.index_cast %add3A_302 : i32 to index
      %get3A_304 = arith.constant 0 : index
      %get3A_305 = tpu.vector_load %arg5[%get3A_303, %get3A_304] {strides = array<i32>} : memref<256x16xi32, #tpu.memory_space<vmem>>, vector<1x16xi32>,
      %get3A_306 = vector.shape_cast %get3A_305 : vector<1x16xi32> to vector<16xi32>
      %add3A_307 = arith.addi %add3A_286, %get3A_306 : vector<16xi32>
      %add3A_308 = arith.addi %add3A_268, %add3A_307 : vector<16xi32>
      %sub3A_309 = arith.constant 513 : i32
      %sub3A_310 = vector.broadcast %sub3A_309 : i32 to vector<16xi32>
      %sub3A_311 = arith.subi %add3A_308, %sub3A_310 : vector<16xi32>
      %shift_right_arithmetic3A_312 = arith.constant 31 : i32
      %shift_right_arithmetic3A_313 = vector.broadcast %shift_right_arithmetic3A_312 : i32 to vector<16xi32>
      %shift_right_arithmetic3A_314 = arith.shrsi %sub3A_311, %shift_right_arithmetic3A_313 : vector<16xi32>
      %and3A_315 = arith.andi %get3A_306, %shift_right_arithmetic3A_314 : vector<16xi32>
      %add3A_316 = arith.constant 1 : i32
      %add3A_317 = arith.addi %mul3A_279, %add3A_316 : i32
      %swap3A_318 = arith.index_cast %add3A_317 : i32 to index
      %swap3A_319 = arith.constant 0 : index
      %swap3A_320 = tpu.vector_load %arg6[%swap3A_318, %swap3A_319] {strides = array<i32>} : memref<256x16xi32, #tpu.memory_space<vmem>>, vector<1x16xi32>,
      %swap3A_321 = vector.shape_cast %swap3A_320 : vector<1x16xi32> to vector<16xi32>
      %swap3A_322 = vector.shape_cast %and3A_315 : vector<16xi32> to vector<1x16xi32>
      tpu.vector_store %arg6[%swap3A_318, %swap3A_319], %swap3A_322 {strides = array<i32>} : memref<256x16xi32, #tpu.memory_space<vmem>>, vector<1x16xi32>,
      %add3A_323 = arith.constant 2 : i32
      %add3A_324 = arith.addi %mul3A_279, %add3A_323 : i32
      %get3A_325 = arith.index_cast %add3A_324 : i32 to index
      %get3A_326 = arith.constant 0 : index
      %get3A_327 = tpu.vector_load %arg5[%get3A_325, %get3A_326] {strides = array<i32>} : memref<256x16xi32, #tpu.memory_space<vmem>>, vector<1x16xi32>,
      %get3A_328 = vector.shape_cast %get3A_327 : vector<1x16xi32> to vector<16xi32>
      %add3A_329 = arith.addi %add3A_307, %get3A_328 : vector<16xi32>
      %add3A_330 = arith.addi %add3A_268, %add3A_329 : vector<16xi32>
      %sub3A_331 = arith.constant 513 : i32
      %sub3A_332 = vector.broadcast %sub3A_331 : i32 to vector<16xi32>
      %sub3A_333 = arith.subi %add3A_330, %sub3A_332 : vector<16xi32>
      %shift_right_arithmetic3A_334 = arith.constant 31 : i32
      %shift_right_arithmetic3A_335 = vector.broadcast %shift_right_arithmetic3A_334 : i32 to vector<16xi32>
      %shift_right_arithmetic3A_336 = arith.shrsi %sub3A_333, %shift_right_arithmetic3A_335 : vector<16xi32>
      %and3A_337 = arith.andi %get3A_328, %shift_right_arithmetic3A_336 : vector<16xi32>
      %add3A_338 = arith.constant 2 : i32
      %add3A_339 = arith.addi %mul3A_279, %add3A_338 : i32
      %swap3A_340 = arith.index_cast %add3A_339 : i32 to index
      %swap3A_341 = arith.constant 0 : index
      %swap3A_342 = tpu.vector_load %arg6[%swap3A_340, %swap3A_341] {strides = array<i32>} : memref<256x16xi32, #tpu.memory_space<vmem>>, vector<1x16xi32>,
      %swap3A_343 = vector.shape_cast %swap3A_342 : vector<1x16xi32> to vector<16xi32>
      %swap3A_344 = vector.shape_cast %and3A_337 : vector<16xi32> to vector<1x16xi32>
      tpu.vector_store %arg6[%swap3A_340, %swap3A_341], %swap3A_344 {strides = array<i32>} : memref<256x16xi32, #tpu.memory_space<vmem>>, vector<1x16xi32>,
      %add3A_345 = arith.constant 3 : i32
      %add3A_346 = arith.addi %mul3A_279, %add3A_345 : i32
      %get3A_347 = arith.index_cast %add3A_346 : i32 to index
      %get3A_348 = arith.constant 0 : index
      %get3A_349 = tpu.vector_load %arg5[%get3A_347, %get3A_348] {strides = array<i32>} : memref<256x16xi32, #tpu.memory_space<vmem>>, vector<1x16xi32>,
      %get3A_350 = vector.shape_cast %get3A_349 : vector<1x16xi32> to vector<16xi32>
      %add3A_351 = arith.addi %add3A_329, %get3A_350 : vector<16xi32>
      %add3A_352 = arith.addi %add3A_268, %add3A_351 : vector<16xi32>
      %sub3A_353 = arith.constant 513 : i32
      %sub3A_354 = vector.broadcast %sub3A_353 : i32 to vector<16xi32>
      %sub3A_355 = arith.subi %add3A_352, %sub3A_354 : vector<16xi32>
      %shift_right_arithmetic3A_356 = arith.constant 31 : i32
      %shift_right_arithmetic3A_357 = vector.broadcast %shift_right_arithmetic3A_356 : i32 to vector<16xi32>
      %shift_right_arithmetic3A_358 = arith.shrsi %sub3A_355, %shift_right_arithmetic3A_357 : vector<16xi32>
      %and3A_359 = arith.andi %get3A_350, %shift_right_arithmetic3A_358 : vector<16xi32>
      %add3A_360 = arith.constant 3 : i32
      %add3A_361 = arith.addi %mul3A_279, %add3A_360 : i32
      %swap3A_362 = arith.index_cast %add3A_361 : i32 to index
      %swap3A_363 = arith.constant 0 : index
      %swap3A_364 = tpu.vector_load %arg6[%swap3A_362, %swap3A_363] {strides = array<i32>} : memref<256x16xi32, #tpu.memory_space<vmem>>, vector<1x16xi32>,
      %swap3A_365 = vector.shape_cast %swap3A_364 : vector<1x16xi32> to vector<16xi32>
      %swap3A_366 = vector.shape_cast %and3A_359 : vector<16xi32> to vector<1x16xi32>
      tpu.vector_store %arg6[%swap3A_362, %swap3A_363], %swap3A_366 {strides = array<i32>} : memref<256x16xi32, #tpu.memory_space<vmem>>, vector<1x16xi32>,
      %add3A_367 = arith.constant 4 : i32
      %add3A_368 = arith.addi %mul3A_279, %add3A_367 : i32
      %get3A_369 = arith.index_cast %add3A_368 : i32 to index
      %get3A_370 = arith.constant 0 : index
      %get3A_371 = tpu.vector_load %arg5[%get3A_369, %get3A_370] {strides = array<i32>} : memref<256x16xi32, #tpu.memory_space<vmem>>, vector<1x16xi32>,
      %get3A_372 = vector.shape_cast %get3A_371 : vector<1x16xi32> to vector<16xi32>
      %add3A_373 = arith.addi %add3A_351, %get3A_372 : vector<16xi32>
      %add3A_374 = arith.addi %add3A_268, %add3A_373 : vector<16xi32>
      %sub3A_375 = arith.constant 513 : i32
      %sub3A_376 = vector.broadcast %sub3A_375 : i32 to vector<16xi32>
      %sub3A_377 = arith.subi %add3A_374, %sub3A_376 : vector<16xi32>
      %shift_right_arithmetic3A_378 = arith.constant 31 : i32
      %shift_right_arithmetic3A_379 = vector.broadcast %shift_right_arithmetic3A_378 : i32 to vector<16xi32>
      %shift_right_arithmetic3A_380 = arith.shrsi %sub3A_377, %shift_right_arithmetic3A_379 : vector<16xi32>
      %and3A_381 = arith.andi %get3A_372, %shift_right_arithmetic3A_380 : vector<16xi32>
      %add3A_382 = arith.constant 4 : i32
      %add3A_383 = arith.addi %mul3A_279, %add3A_382 : i32
      %swap3A_384 = arith.index_cast %add3A_383 : i32 to index
      %swap3A_385 = arith.constant 0 : index
      %swap3A_386 = tpu.vector_load %arg6[%swap3A_384, %swap3A_385] {strides = array<i32>} : memref<256x16xi32, #tpu.memory_space<vmem>>, vector<1x16xi32>,
      %swap3A_387 = vector.shape_cast %swap3A_386 : vector<1x16xi32> to vector<16xi32>
      %swap3A_388 = vector.shape_cast %and3A_381 : vector<16xi32> to vector<1x16xi32>
      tpu.vector_store %arg6[%swap3A_384, %swap3A_385], %swap3A_388 {strides = array<i32>} : memref<256x16xi32, #tpu.memory_space<vmem>>, vector<1x16xi32>,
      %add3A_389 = arith.constant 5 : i32
      %add3A_390 = arith.addi %mul3A_279, %add3A_389 : i32
      %get3A_391 = arith.index_cast %add3A_390 : i32 to index
      %get3A_392 = arith.constant 0 : index
      %get3A_393 = tpu.vector_load %arg5[%get3A_391, %get3A_392] {strides = array<i32>} : memref<256x16xi32, #tpu.memory_space<vmem>>, vector<1x16xi32>,
      %get3A_394 = vector.shape_cast %get3A_393 : vector<1x16xi32> to vector<16xi32>
      %add3A_395 = arith.addi %add3A_373, %get3A_394 : vector<16xi32>
      %add3A_396 = arith.addi %add3A_268, %add3A_395 : vector<16xi32>
      %sub3A_397 = arith.constant 513 : i32
      %sub3A_398 = vector.broadcast %sub3A_397 : i32 to vector<16xi32>
      %sub3A_399 = arith.subi %add3A_396, %sub3A_398 : vector<16xi32>
      %shift_right_arithmetic3A_400 = arith.constant 31 : i32
      %shift_right_arithmetic3A_401 = vector.broadcast %shift_right_arithmetic3A_400 : i32 to vector<16xi32>
      %shift_right_arithmetic3A_402 = arith.shrsi %sub3A_399, %shift_right_arithmetic3A_401 : vector<16xi32>
      %and3A_403 = arith.andi %get3A_394, %shift_right_arithmetic3A_402 : vector<16xi32>
      %add3A_404 = arith.constant 5 : i32
      %add3A_405 = arith.addi %mul3A_279, %add3A_404 : i32
      %swap3A_406 = arith.index_cast %add3A_405 : i32 to index
      %swap3A_407 = arith.constant 0 : index
      %swap3A_408 = tpu.vector_load %arg6[%swap3A_406, %swap3A_407] {strides = array<i32>} : memref<256x16xi32, #tpu.memory_space<vmem>>, vector<1x16xi32>,
      %swap3A_409 = vector.shape_cast %swap3A_408 : vector<1x16xi32> to vector<16xi32>
      %swap3A_410 = vector.shape_cast %and3A_403 : vector<16xi32> to vector<1x16xi32>
      tpu.vector_store %arg6[%swap3A_406, %swap3A_407], %swap3A_410 {strides = array<i32>} : memref<256x16xi32, #tpu.memory_space<vmem>>, vector<1x16xi32>,
      %add3A_411 = arith.constant 6 : i32
      %add3A_412 = arith.addi %mul3A_279, %add3A_411 : i32
      %get3A_413 = arith.index_cast %add3A_412 : i32 to index
      %get3A_414 = arith.constant 0 : index
      %get3A_415 = tpu.vector_load %arg5[%get3A_413, %get3A_414] {strides = array<i32>} : memref<256x16xi32, #tpu.memory_space<vmem>>, vector<1x16xi32>,
      %get3A_416 = vector.shape_cast %get3A_415 : vector<1x16xi32> to vector<16xi32>
      %add3A_417 = arith.addi %add3A_395, %get3A_416 : vector<16xi32>
      %add3A_418 = arith.addi %add3A_268, %add3A_417 : vector<16xi32>
      %sub3A_419 = arith.constant 513 : i32
      %sub3A_420 = vector.broadcast %sub3A_419 : i32 to vector<16xi32>
      %sub3A_421 = arith.subi %add3A_418, %sub3A_420 : vector<16xi32>
      %shift_right_arithmetic3A_422 = arith.constant 31 : i32
      %shift_right_arithmetic3A_423 = vector.broadcast %shift_right_arithmetic3A_422 : i32 to vector<16xi32>
      %shift_right_arithmetic3A_424 = arith.shrsi %sub3A_421, %shift_right_arithmetic3A_423 : vector<16xi32>
      %and3A_425 = arith.andi %get3A_416, %shift_right_arithmetic3A_424 : vector<16xi32>
      %add3A_426 = arith.constant 6 : i32
      %add3A_427 = arith.addi %mul3A_279, %add3A_426 : i32
      %swap3A_428 = arith.index_cast %add3A_427 : i32 to index
      %swap3A_429 = arith.constant 0 : index
      %swap3A_430 = tpu.vector_load %arg6[%swap3A_428, %swap3A_429] {strides = array<i32>} : memref<256x16xi32, #tpu.memory_space<vmem>>, vector<1x16xi32>,
      %swap3A_431 = vector.shape_cast %swap3A_430 : vector<1x16xi32> to vector<16xi32>
      %swap3A_432 = vector.shape_cast %and3A_425 : vector<16xi32> to vector<1x16xi32>
      tpu.vector_store %arg6[%swap3A_428, %swap3A_429], %swap3A_432 {strides = array<i32>} : memref<256x16xi32, #tpu.memory_space<vmem>>, vector<1x16xi32>,
      %add3A_433 = arith.constant 7 : i32
      %add3A_434 = arith.addi %mul3A_279, %add3A_433 : i32
      %get3A_435 = arith.index_cast %add3A_434 : i32 to index
      %get3A_436 = arith.constant 0 : index
      %get3A_437 = tpu.vector_load %arg5[%get3A_435, %get3A_436] {strides = array<i32>} : memref<256x16xi32, #tpu.memory_space<vmem>>, vector<1x16xi32>,
      %get3A_438 = vector.shape_cast %get3A_437 : vector<1x16xi32> to vector<16xi32>
      %add3A_439 = arith.addi %add3A_417, %get3A_438 : vector<16xi32>
      %add3A_440 = arith.addi %add3A_268, %add3A_439 : vector<16xi32>
      %sub3A_441 = arith.constant 513 : i32
      %sub3A_442 = vector.broadcast %sub3A_441 : i32 to vector<16xi32>
      %sub3A_443 = arith.subi %add3A_440, %sub3A_442 : vector<16xi32>
      %shift_right_arithmetic3A_444 = arith.constant 31 : i32
      %shift_right_arithmetic3A_445 = vector.broadcast %shift_right_arithmetic3A_444 : i32 to vector<16xi32>
      %shift_right_arithmetic3A_446 = arith.shrsi %sub3A_443, %shift_right_arithmetic3A_445 : vector<16xi32>
      %and3A_447 = arith.andi %get3A_438, %shift_right_arithmetic3A_446 : vector<16xi32>
      %add3A_448 = arith.constant 7 : i32
      %add3A_449 = arith.addi %mul3A_279, %add3A_448 : i32
      %swap3A_450 = arith.index_cast %add3A_449 : i32 to index
      %swap3A_451 = arith.constant 0 : index
      %swap3A_452 = tpu.vector_load %arg6[%swap3A_450, %swap3A_451] {strides = array<i32>} : memref<256x16xi32, #tpu.memory_space<vmem>>, vector<1x16xi32>,
      %swap3A_453 = vector.shape_cast %swap3A_452 : vector<1x16xi32> to vector<16xi32>
      %swap3A_454 = vector.shape_cast %and3A_447 : vector<16xi32> to vector<1x16xi32>
      tpu.vector_store %arg6[%swap3A_450, %swap3A_451], %swap3A_454 {strides = array<i32>} : memref<256x16xi32, #tpu.memory_space<vmem>>, vector<1x16xi32>,
      scf.yield %add3A_439 : vector<16xi32>
    }
    %scan3A_275 = arith.constant 32 : i32
    "tpu.region"() ({
      %run_scoped3A = tpu.sem_alloc : memref<!tpu.dma_semaphore, #tpu.memory_space<semaphore_mem>>
      %dma_start3A = arith.constant 0 : i32
      %dma_start3A_276 = tpu.memref_slice %arg4[%arg0, %mul3A_0, %dma_start3A] : memref<2x4096x16xi32, #tpu.memory_space<hbm>> -> memref<1x256x16xi32, #tpu.memory_space<hbm>>
      %dma_start3A_277 = tpu.memref_squeeze %dma_start3A_276 : memref<1x256x16xi32, #tpu.memory_space<hbm>> -> memref<256x16xi32, #tpu.memory_space<hbm>>
      %dma_start3A_278 = arith.constant 0 : i32
      %dma_start3A_279 = tpu.memref_slice %arg4[%arg0, %mul3A_0, %dma_start3A_278] : memref<2x4096x16xi32, #tpu.memory_space<hbm>> -> memref<1x256x16xi32, #tpu.memory_space<hbm>>
      %dma_start3A_280 = tpu.memref_squeeze %dma_start3A_279 : memref<1x256x16xi32, #tpu.memory_space<hbm>> -> memref<256x16xi32, #tpu.memory_space<hbm>>
      tpu.enqueue_dma source(%arg6 : memref<256x16xi32, #tpu.memory_space<vmem>>) target(%dma_start3A_280 : memref<256x16xi32, #tpu.memory_space<hbm>>) target_semaphore(%run_scoped3A : memref<!tpu.dma_semaphore, #tpu.memory_space<semaphore_mem>>)
      %dma_wait3A = arith.constant 0 : i32
      %dma_wait3A_281 = tpu.memref_slice %arg4[%arg0, %mul3A_0, %dma_wait3A] : memref<2x4096x16xi32, #tpu.memory_space<hbm>> -> memref<1x256x16xi32, #tpu.memory_space<hbm>>
      %dma_wait3A_282 = tpu.memref_squeeze %dma_wait3A_281 : memref<1x256x16xi32, #tpu.memory_space<hbm>> -> memref<256x16xi32, #tpu.memory_space<hbm>>
      %dma_wait3A_283 = arith.constant 0 : i32
      %dma_wait3A_284 = tpu.memref_slice %arg4[%arg0, %mul3A_0, %dma_wait3A_283] : memref<2x4096x16xi32, #tpu.memory_space<hbm>> -> memref<1x256x16xi32, #tpu.memory_space<hbm>>
      %dma_wait3A_285 = tpu.memref_squeeze %dma_wait3A_284 : memref<1x256x16xi32, #tpu.memory_space<hbm>> -> memref<256x16xi32, #tpu.memory_space<hbm>>
      tpu.wait_dma2 semaphore(%run_scoped3A : memref<!tpu.dma_semaphore, #tpu.memory_space<semaphore_mem>>) src(%arg6 : memref<256x16xi32, #tpu.memory_space<vmem>>) dst(%dma_wait3A_285 : memref<256x16xi32, #tpu.memory_space<hbm>>)
      tpu.yield
    }) : () -> ()
    return
  }
}

#map = affine_map<(d0, d1) -> (0, 0, 0)>
module attributes {stable_mosaic.version = 14 : i64} {
  func.func @_sc_count_body(%arg0: i32, %arg1: i32, %arg2: memref<2x4096x16xi32, #tpu.memory_space<hbm>>, %arg3: memref<2x16x16xi32, #tpu.memory_space<hbm>>, %arg4: memref<256x16xi32, #tpu.memory_space<vmem>>, %arg5: memref<16xi32, #tpu.memory_space<vmem>>) attributes {dimension_semantics = [#tpu.dimension_semantics<core_parallel>, #tpu.dimension_semantics<subcore_parallel>], iteration_bounds = array<i64: 2, 16>, scalar_prefetch = 0 : i64, scratch_operands = 2 : i64, tpu.core_type = #tpu.core_type<sc_vector_subcore>, window_params = [{transform_indices = #map}, {transform_indices = #map}]} {
    %mul3A = arith.constant 256 : i32
    %mul3A_0 = arith.muli %arg1, %mul3A : i32
    "tpu.region"() ({
      %run_scoped3A = tpu.sem_alloc : memref<!tpu.dma_semaphore, #tpu.memory_space<semaphore_mem>>
      %dma_start3A = arith.constant 0 : i32
      %dma_start3A_10 = tpu.memref_slice %arg2[%arg0, %mul3A_0, %dma_start3A] : memref<2x4096x16xi32, #tpu.memory_space<hbm>> -> memref<1x256x16xi32, #tpu.memory_space<hbm>>
      %dma_start3A_11 = tpu.memref_squeeze %dma_start3A_10 : memref<1x256x16xi32, #tpu.memory_space<hbm>> -> memref<256x16xi32, #tpu.memory_space<hbm>>
      %dma_start3A_12 = arith.constant 0 : i32
      %dma_start3A_13 = tpu.memref_slice %arg2[%arg0, %mul3A_0, %dma_start3A_12] : memref<2x4096x16xi32, #tpu.memory_space<hbm>> -> memref<1x256x16xi32, #tpu.memory_space<hbm>>
      %dma_start3A_14 = tpu.memref_squeeze %dma_start3A_13 : memref<1x256x16xi32, #tpu.memory_space<hbm>> -> memref<256x16xi32, #tpu.memory_space<hbm>>
      tpu.enqueue_dma source(%dma_start3A_14 : memref<256x16xi32, #tpu.memory_space<hbm>>) target(%arg4 : memref<256x16xi32, #tpu.memory_space<vmem>>) target_semaphore(%run_scoped3A : memref<!tpu.dma_semaphore, #tpu.memory_space<semaphore_mem>>)
      %dma_wait3A = arith.constant 0 : i32
      %dma_wait3A_15 = tpu.memref_slice %arg2[%arg0, %mul3A_0, %dma_wait3A] : memref<2x4096x16xi32, #tpu.memory_space<hbm>> -> memref<1x256x16xi32, #tpu.memory_space<hbm>>
      %dma_wait3A_16 = tpu.memref_squeeze %dma_wait3A_15 : memref<1x256x16xi32, #tpu.memory_space<hbm>> -> memref<256x16xi32, #tpu.memory_space<hbm>>
      %dma_wait3A_17 = arith.constant 0 : i32
      %dma_wait3A_18 = tpu.memref_slice %arg2[%arg0, %mul3A_0, %dma_wait3A_17] : memref<2x4096x16xi32, #tpu.memory_space<hbm>> -> memref<1x256x16xi32, #tpu.memory_space<hbm>>
      %dma_wait3A_19 = tpu.memref_squeeze %dma_wait3A_18 : memref<1x256x16xi32, #tpu.memory_space<hbm>> -> memref<256x16xi32, #tpu.memory_space<hbm>>
      tpu.wait_dma2 semaphore(%run_scoped3A : memref<!tpu.dma_semaphore, #tpu.memory_space<semaphore_mem>>) src(%dma_wait3A_19 : memref<256x16xi32, #tpu.memory_space<hbm>>) dst(%arg4 : memref<256x16xi32, #tpu.memory_space<vmem>>)
      tpu.yield
    }) : () -> ()
    %broadcast_in_dim3A = arith.constant 0 : i32
    %broadcast_in_dim3A_1 = vector.broadcast %broadcast_in_dim3A : i32 to vector<16xi32>
    %scan3A = arith.constant 0 : i32
    %scan3A_2 = arith.constant 32 : i32
    %scan3A_3 = arith.addi %scan3A, %scan3A_2 : i32
    %scan3A_4 = arith.constant 1 : i32
    %scan3A_5 = scf.for %scan3A_10 = %scan3A to %scan3A_3 step %scan3A_4 iter_args(%scan3A_11 = %broadcast_in_dim3A_1) -> (vector<16xi32>)  : i32 {
      %mul3A_12 = arith.constant 8 : i32
      %mul3A_13 = arith.muli %scan3A_10, %mul3A_12 : i32
      %add3A = arith.constant 0 : i32
      %add3A_14 = arith.addi %mul3A_13, %add3A : i32
      %get3A = arith.index_cast %add3A_14 : i32 to index
      %get3A_15 = arith.constant 0 : index
      %get3A_16 = tpu.vector_load %arg4[%get3A, %get3A_15] {strides = array<i32>} : memref<256x16xi32, #tpu.memory_space<vmem>>, vector<1x16xi32>,
      %get3A_17 = vector.shape_cast %get3A_16 : vector<1x16xi32> to vector<16xi32>
      %add3A_18 = arith.addi %scan3A_11, %get3A_17 : vector<16xi32>
      %add3A_19 = arith.constant 1 : i32
      %add3A_20 = arith.addi %mul3A_13, %add3A_19 : i32
      %get3A_21 = arith.index_cast %add3A_20 : i32 to index
      %get3A_22 = arith.constant 0 : index
      %get3A_23 = tpu.vector_load %arg4[%get3A_21, %get3A_22] {strides = array<i32>} : memref<256x16xi32, #tpu.memory_space<vmem>>, vector<1x16xi32>,
      %get3A_24 = vector.shape_cast %get3A_23 : vector<1x16xi32> to vector<16xi32>
      %add3A_25 = arith.addi %add3A_18, %get3A_24 : vector<16xi32>
      %add3A_26 = arith.constant 2 : i32
      %add3A_27 = arith.addi %mul3A_13, %add3A_26 : i32
      %get3A_28 = arith.index_cast %add3A_27 : i32 to index
      %get3A_29 = arith.constant 0 : index
      %get3A_30 = tpu.vector_load %arg4[%get3A_28, %get3A_29] {strides = array<i32>} : memref<256x16xi32, #tpu.memory_space<vmem>>, vector<1x16xi32>,
      %get3A_31 = vector.shape_cast %get3A_30 : vector<1x16xi32> to vector<16xi32>
      %add3A_32 = arith.addi %add3A_25, %get3A_31 : vector<16xi32>
      %add3A_33 = arith.constant 3 : i32
      %add3A_34 = arith.addi %mul3A_13, %add3A_33 : i32
      %get3A_35 = arith.index_cast %add3A_34 : i32 to index
      %get3A_36 = arith.constant 0 : index
      %get3A_37 = tpu.vector_load %arg4[%get3A_35, %get3A_36] {strides = array<i32>} : memref<256x16xi32, #tpu.memory_space<vmem>>, vector<1x16xi32>,
      %get3A_38 = vector.shape_cast %get3A_37 : vector<1x16xi32> to vector<16xi32>
      %add3A_39 = arith.addi %add3A_32, %get3A_38 : vector<16xi32>
      %add3A_40 = arith.constant 4 : i32
      %add3A_41 = arith.addi %mul3A_13, %add3A_40 : i32
      %get3A_42 = arith.index_cast %add3A_41 : i32 to index
      %get3A_43 = arith.constant 0 : index
      %get3A_44 = tpu.vector_load %arg4[%get3A_42, %get3A_43] {strides = array<i32>} : memref<256x16xi32, #tpu.memory_space<vmem>>, vector<1x16xi32>,
      %get3A_45 = vector.shape_cast %get3A_44 : vector<1x16xi32> to vector<16xi32>
      %add3A_46 = arith.addi %add3A_39, %get3A_45 : vector<16xi32>
      %add3A_47 = arith.constant 5 : i32
      %add3A_48 = arith.addi %mul3A_13, %add3A_47 : i32
      %get3A_49 = arith.index_cast %add3A_48 : i32 to index
      %get3A_50 = arith.constant 0 : index
      %get3A_51 = tpu.vector_load %arg4[%get3A_49, %get3A_50] {strides = array<i32>} : memref<256x16xi32, #tpu.memory_space<vmem>>, vector<1x16xi32>,
      %get3A_52 = vector.shape_cast %get3A_51 : vector<1x16xi32> to vector<16xi32>
      %add3A_53 = arith.addi %add3A_46, %get3A_52 : vector<16xi32>
      %add3A_54 = arith.constant 6 : i32
      %add3A_55 = arith.addi %mul3A_13, %add3A_54 : i32
      %get3A_56 = arith.index_cast %add3A_55 : i32 to index
      %get3A_57 = arith.constant 0 : index
      %get3A_58 = tpu.vector_load %arg4[%get3A_56, %get3A_57] {strides = array<i32>} : memref<256x16xi32, #tpu.memory_space<vmem>>, vector<1x16xi32>,
      %get3A_59 = vector.shape_cast %get3A_58 : vector<1x16xi32> to vector<16xi32>
      %add3A_60 = arith.addi %add3A_53, %get3A_59 : vector<16xi32>
      %add3A_61 = arith.constant 7 : i32
      %add3A_62 = arith.addi %mul3A_13, %add3A_61 : i32
      %get3A_63 = arith.index_cast %add3A_62 : i32 to index
      %get3A_64 = arith.constant 0 : index
      %get3A_65 = tpu.vector_load %arg4[%get3A_63, %get3A_64] {strides = array<i32>} : memref<256x16xi32, #tpu.memory_space<vmem>>, vector<1x16xi32>,
      %get3A_66 = vector.shape_cast %get3A_65 : vector<1x16xi32> to vector<16xi32>
      %add3A_67 = arith.addi %add3A_60, %get3A_66 : vector<16xi32>
      scf.yield %add3A_67 : vector<16xi32>
    }
    %scan3A_6 = arith.constant 32 : i32
    %swap3A = arith.constant 0 : index
    %swap3A_7 = tpu.vector_load %arg5[%swap3A] {strides = array<i32>} : memref<16xi32, #tpu.memory_space<vmem>>, vector<16xi32>,
    %swap3A_8 = vector.shape_cast %swap3A_7 : vector<16xi32> to vector<16xi32>
    %swap3A_9 = vector.shape_cast %scan3A_5 : vector<16xi32> to vector<16xi32>
    tpu.vector_store %arg5[%swap3A], %swap3A_9 {strides = array<i32>} : memref<16xi32, #tpu.memory_space<vmem>>, vector<16xi32>,
    "tpu.region"() ({
      %run_scoped3A = tpu.sem_alloc : memref<!tpu.dma_semaphore, #tpu.memory_space<semaphore_mem>>
      %dma_start3A = arith.constant 0 : i32
      %dma_start3A_10 = tpu.memref_slice %arg3[%arg0, %arg1, %dma_start3A] : memref<2x16x16xi32, #tpu.memory_space<hbm>> -> memref<1x1x16xi32, #tpu.memory_space<hbm>>
      %dma_start3A_11 = tpu.memref_squeeze %dma_start3A_10 : memref<1x1x16xi32, #tpu.memory_space<hbm>> -> memref<16xi32, #tpu.memory_space<hbm>>
      %dma_start3A_12 = arith.constant 0 : i32
      %dma_start3A_13 = tpu.memref_slice %arg3[%arg0, %arg1, %dma_start3A_12] : memref<2x16x16xi32, #tpu.memory_space<hbm>> -> memref<1x1x16xi32, #tpu.memory_space<hbm>>
      %dma_start3A_14 = tpu.memref_squeeze %dma_start3A_13 : memref<1x1x16xi32, #tpu.memory_space<hbm>> -> memref<16xi32, #tpu.memory_space<hbm>>
      tpu.enqueue_dma source(%arg5 : memref<16xi32, #tpu.memory_space<vmem>>) target(%dma_start3A_14 : memref<16xi32, #tpu.memory_space<hbm>>) target_semaphore(%run_scoped3A : memref<!tpu.dma_semaphore, #tpu.memory_space<semaphore_mem>>)
      %dma_wait3A = arith.constant 0 : i32
      %dma_wait3A_15 = tpu.memref_slice %arg3[%arg0, %arg1, %dma_wait3A] : memref<2x16x16xi32, #tpu.memory_space<hbm>> -> memref<1x1x16xi32, #tpu.memory_space<hbm>>
      %dma_wait3A_16 = tpu.memref_squeeze %dma_wait3A_15 : memref<1x1x16xi32, #tpu.memory_space<hbm>> -> memref<16xi32, #tpu.memory_space<hbm>>
      %dma_wait3A_17 = arith.constant 0 : i32
      %dma_wait3A_18 = tpu.memref_slice %arg3[%arg0, %arg1, %dma_wait3A_17] : memref<2x16x16xi32, #tpu.memory_space<hbm>> -> memref<1x1x16xi32, #tpu.memory_space<hbm>>
      %dma_wait3A_19 = tpu.memref_squeeze %dma_wait3A_18 : memref<1x1x16xi32, #tpu.memory_space<hbm>> -> memref<16xi32, #tpu.memory_space<hbm>>
      tpu.wait_dma2 semaphore(%run_scoped3A : memref<!tpu.dma_semaphore, #tpu.memory_space<semaphore_mem>>) src(%arg5 : memref<16xi32, #tpu.memory_space<vmem>>) dst(%dma_wait3A_19 : memref<16xi32, #tpu.memory_space<hbm>>)
      tpu.yield
    }) : () -> ()
    return
  }
}

module attributes {stable_mosaic.version = 14 : i64} {
  func.func @_logit_body(%arg0: i32, %arg1: i32, %arg2: memref<1x1024x2048xf32, #tpu.memory_space<vmem>>, %arg3: memref<2048x16xf32, #tpu.memory_space<vmem>>, %arg4: memref<1x1024x1xf32, #tpu.memory_space<vmem>>, %arg5: memref<1x1024x16xf32, #tpu.memory_space<vmem>>, %arg6: memref<1x1024x16xi32, #tpu.memory_space<vmem>>) attributes {dimension_semantics = [#tpu.dimension_semantics<arbitrary>, #tpu.dimension_semantics<arbitrary>], iteration_bounds = array<i64: 2, 4>, scalar_prefetch = 0 : i64, scratch_operands = 0 : i64, tpu.core_type = #tpu.core_type<tc>, window_params = [{transform_indices = @transform_0, window_bounds = array<i64: 1, 1024, 2048>}, {pipeline_mode = #tpu.pipeline_mode<synchronous>, transform_indices = @transform_1, window_bounds = array<i64: 2048, 16>}, {transform_indices = @transform_2, window_bounds = array<i64: 1, 1024, 1>}, {transform_indices = @transform_3, window_bounds = array<i64: 1, 1024, 16>}, {transform_indices = @transform_4, window_bounds = array<i64: 1, 1024, 16>}]} {
    %get3A = arith.constant 0 : index
    %get3A_0 = arith.constant 0 : index
    %get3A_1 = arith.constant 0 : index
    %get3A_2 = vector.load %arg2[%get3A, %get3A_0, %get3A_1] : memref<1x1024x2048xf32, #tpu.memory_space<vmem>>, vector<1x1024x2048xf32>
    %get3A_3 = vector.shape_cast %get3A_2 : vector<1x1024x2048xf32> to vector<1024x2048xf32>
    %get3A_4 = arith.constant 0 : index
    %get3A_5 = arith.constant 0 : index
    %get3A_6 = vector.load %arg3[%get3A_4, %get3A_5] : memref<2048x16xf32, #tpu.memory_space<vmem>>, vector<2048x16xf32>
    %dot_general3A = arith.constant dense<0.000000e+00> : vector<1024x16xf32>
    %dot_general3A_7 = tpu.matmul %get3A_3, %get3A_6, %dot_general3A {dimension_numbers = #tpu.dot_dimension_numbers<[1], [0], [0], [1], [0, 0, 1, 1], [], []>, transpose_lhs_hint = false} : vector<1024x2048xf32>, vector<2048x16xf32>, vector<1024x16xf32> -> vector<1024x16xf32>
    %swap3A = arith.constant 0 : index
    %swap3A_8 = arith.constant 0 : index
    %swap3A_9 = arith.constant 0 : index
    %swap3A_10 = vector.load %arg5[%swap3A, %swap3A_8, %swap3A_9] : memref<1x1024x16xf32, #tpu.memory_space<vmem>>, vector<1x1024x16xf32>
    %swap3A_11 = vector.shape_cast %swap3A_10 : vector<1x1024x16xf32> to vector<1024x16xf32>
    %swap3A_12 = vector.shape_cast %dot_general3A_7 : vector<1024x16xf32> to vector<1x1024x16xf32>
    tpu.vector_store %arg5[%swap3A, %swap3A_8, %swap3A_9], %swap3A_12 {strides = array<i32>} : memref<1x1024x16xf32, #tpu.memory_space<vmem>>, vector<1x1024x16xf32>,
    %reduce_max3A = arith.constant dense<0xFF800000> : vector<1024xf32>
    %reduce_max3A_13 = vector.multi_reduction <maximumf>, %dot_general3A_7, %reduce_max3A [1] : vector<1024x16xf32> to vector<1024xf32>
    %broadcast_in_dim3A = vector.shape_cast %reduce_max3A_13 : vector<1024xf32> to vector<1024x1xf32>
    %sub3A = vector.broadcast %broadcast_in_dim3A : vector<1024x1xf32> to vector<1024x16xf32>
    %sub3A_14 = arith.subf %dot_general3A_7, %sub3A : vector<1024x16xf32>
    %exp3A = math.exp %sub3A_14 : vector<1024x16xf32>
    %reduce_sum3A = arith.constant dense<0.000000e+00> : vector<1024xf32>
    %reduce_sum3A_15 = vector.multi_reduction <add>, %exp3A, %reduce_sum3A [1] : vector<1024x16xf32> to vector<1024xf32>
    %broadcast_in_dim3A_16 = vector.shape_cast %reduce_sum3A_15 : vector<1024xf32> to vector<1024x1xf32>
    %div3A = arith.constant 1.000000e+00 : f32
    %div3A_17 = vector.broadcast %div3A : f32 to vector<1024x1xf32>
    %div3A_18 = arith.divf %div3A_17, %broadcast_in_dim3A_16 : vector<1024x1xf32>
    %swap3A_19 = arith.constant 0 : index
    %swap3A_20 = arith.constant 0 : index
    %swap3A_21 = arith.constant 0 : index
    %swap3A_22 = vector.load %arg4[%swap3A_19, %swap3A_20, %swap3A_21] : memref<1x1024x1xf32, #tpu.memory_space<vmem>>, vector<1x1024x1xf32>
    %swap3A_23 = vector.shape_cast %swap3A_22 : vector<1x1024x1xf32> to vector<1024x1xf32>
    %swap3A_24 = vector.shape_cast %div3A_18 : vector<1024x1xf32> to vector<1x1024x1xf32>
    tpu.vector_store %arg4[%swap3A_19, %swap3A_20, %swap3A_21], %swap3A_24 {strides = array<i32>} : memref<1x1024x1xf32, #tpu.memory_space<vmem>>, vector<1x1024x1xf32>,
    %eq3A = vector.broadcast %broadcast_in_dim3A : vector<1024x1xf32> to vector<1024x16xf32>
    %eq3A_25 = arith.cmpf oeq, %dot_general3A_7, %eq3A : vector<1024x16xf32>
    %iota3A = tpu.iota {dimensions = array<i32: 0>} : vector<16x16xi32>
    %iota3A_26 = tpu.iota {dimensions = array<i32: 1>} : vector<16x16xi32>
    %lt3A = arith.cmpi slt, %iota3A, %iota3A_26 : vector<16x16xi32>
    %convert_element_type3A = arith.extui %lt3A : vector<16x16xi1> to vector<16x16xi32>
    %convert_element_type3A_27 = arith.sitofp %convert_element_type3A : vector<16x16xi32> to vector<16x16xf32>
    %convert_element_type3A_28 = arith.truncf %convert_element_type3A_27 : vector<16x16xf32> to vector<16x16xbf16>
    %convert_element_type3A_29 = arith.extui %eq3A_25 : vector<1024x16xi1> to vector<1024x16xi32>
    %convert_element_type3A_30 = arith.sitofp %convert_element_type3A_29 : vector<1024x16xi32> to vector<1024x16xf32>
    %convert_element_type3A_31 = arith.truncf %convert_element_type3A_30 : vector<1024x16xf32> to vector<1024x16xbf16>
    %dot_general3A_32 = arith.constant dense<0.000000e+00> : vector<1024x16xf32>
    %dot_general3A_33 = tpu.matmul %convert_element_type3A_31, %convert_element_type3A_28, %dot_general3A_32 {dimension_numbers = #tpu.dot_dimension_numbers<[1], [0], [0], [1], [0, 0, 1, 1], [], []>, transpose_lhs_hint = false} : vector<1024x16xbf16>, vector<16x16xbf16>, vector<1024x16xf32> -> vector<1024x16xf32>
    %eq3A_34 = arith.constant 0.000000e+00 : f32
    %eq3A_35 = vector.broadcast %eq3A_34 : f32 to vector<1024x16xf32>
    %eq3A_36 = arith.cmpf oeq, %dot_general3A_33, %eq3A_35 : vector<1024x16xf32>
    %and3A = arith.andi %eq3A_25, %eq3A_36 : vector<1024x16xi1>
    %convert_element_type3A_37 = arith.extui %and3A : vector<1024x16xi1> to vector<1024x16xi32>
    %swap3A_38 = arith.constant 0 : index
    %swap3A_39 = arith.constant 0 : index
    %swap3A_40 = arith.constant 0 : index
    %swap3A_41 = vector.load %arg6[%swap3A_38, %swap3A_39, %swap3A_40] : memref<1x1024x16xi32, #tpu.memory_space<vmem>>, vector<1x1024x16xi32>
    %swap3A_42 = vector.shape_cast %swap3A_41 : vector<1x1024x16xi32> to vector<1024x16xi32>
    %swap3A_43 = vector.shape_cast %convert_element_type3A_37 : vector<1024x16xi32> to vector<1x1024x16xi32>
    tpu.vector_store %arg6[%swap3A_38, %swap3A_39, %swap3A_40], %swap3A_43 {strides = array<i32>} : memref<1x1024x16xi32, #tpu.memory_space<vmem>>, vector<1x1024x16xi32>,
    return
  }
  func.func @transform_0(%arg0: i32, %arg1: i32) -> (i32, i32, i32) {
    %c0_i32 = arith.constant 0 : i32
    %c0_i32_0 = arith.constant 0 : i32
    return %arg0, %arg1, %c0_i32 : i32, i32, i32
  }
  func.func @transform_1(%arg0: i32, %arg1: i32) -> (i32, i32) {
    %c0_i32 = arith.constant 0 : i32
    %c0_i32_0 = arith.constant 0 : i32
    %c0_i32_1 = arith.constant 0 : i32
    return %c0_i32, %c0_i32_0 : i32, i32
  }
  func.func @transform_2(%arg0: i32, %arg1: i32) -> (i32, i32, i32) {
    %c0_i32 = arith.constant 0 : i32
    %c0_i32_0 = arith.constant 0 : i32
    return %arg0, %arg1, %c0_i32 : i32, i32, i32
  }
  func.func @transform_3(%arg0: i32, %arg1: i32) -> (i32, i32, i32) {
    %c0_i32 = arith.constant 0 : i32
    %c0_i32_0 = arith.constant 0 : i32
    return %arg0, %arg1, %c0_i32 : i32, i32, i32
  }
  func.func @transform_4(%arg0: i32, %arg1: i32) -> (i32, i32, i32) {
    %c0_i32 = arith.constant 0 : i32
    %c0_i32_0 = arith.constant 0 : i32
    return %arg0, %arg1, %c0_i32 : i32, i32, i32
  }
}

</mosaic_0001>

<sc_bundles>
// kernel: kernel.5.cloned.1.call-start
scs
__scs_entry_jumppad:
0x0: {  	(pc) =	sbr.rel $0x88, $3  }
0x1: {  	(tag) =	ssettag $0x0;
	lr =	simm.s32 $0x1  }
0x2: {  	[smem:$0x3F9F] =	sst lr;
	_ =	strace $0xD0000000  }
0x3: {  	_ = 	snop  }
0x4: {  	_ = 	snop  }
0x5: {  	_ = 	snop  }
0x6: {  	_ = 	snop  }
0x7: {  	_ = 	snop  }
__scs_overlays_trampoline_lowered:
0x8: {  	[smem:$0x3FAE] =	sst s0  }
0x9: {  	[smem:$0x3FAF] =	sst s1  }
0xa: {  	[smem:$0x3FB0] =	sst s2  }
0xb: {  	[smem:$0x3FB1] =	sst s3  }
0xc: {  	[smem:$0x3FB2] =	sst s4  }
0xd: {  	[smem:$0x3FB3] =	sst s5  }
0xe: {  	[smem:$0x3FB4] =	sst s6  }
0xf: {  	[smem:$0x3FB5] =	sst s7  }
0x10: {  	[smem:$0x3FB6] =	sst s8  }
0x11: {  	[smem:$0x3FB7] =	sst s9;
	s0 =	simm.s32 @!p0 $0x0  }
0x12: {  	s1 =	sld [smem:$0x3F9D];
	s0 =	simm.s32 @p0 $0x1  }
0x13: {  	[smem:$0x3FB8] =	sst s0;
	s0 =	simm.s32 @!p1 $0x0  }
0x14: {  	s2 =	sld [smem:$0x3F9C];
	s0 =	simm.s32 @p1 $0x1  }
0x15: {  	[smem:$0x3FB9] =	sst s0;
	s0 =	simm.s32 @!p2 $0x0  }
0x16: {  	s3 =	sld [smem:$0x3FDB];
	s0 =	simm.s32 @p2 $0x1  }
0x17: {  	s4 =	simm.s32 $0x1BF5;
	[smem:$0x3FBB] =	sst s0  }
0x18: {  	s0 =	sld [smem:$0x3F9E];
	_ =	swait.ge [sflag:s4], $0x0  }
0x19: {  	s7 =	sld [smem:$0x3F9F]  }
0x1a: {  	s8 =	sadd.s32 $0xFFFFE003, lr  }
0x1b: {  	s9 =	sadd.s32 $0xFFFFFEF7, lr;
	s5 =	simm.s32 $0xFFFFFFFF;
	p2 =	slt.u32 s8, $0xFFFFF086  }
0x1c: {  	p1 =	slt.u32 s9, $0xF7A;
	s5 =	simm.s32 @!p2 $0x0  }
0x1d: {  	s5 =	simm.s32 @p1 $0x1;
	p0 =	seq.s32 s7, s2  }
0x1e: {  	s7 =	smul.u32 @!p0 $0xF7A, s2;
	p2 =	seq.s32 @!p0 s5, $0x0  }
0x1f: {  	s9 =	smul.u32 $0xF7A, s1;
	s8 =	simm.s32 @!p0 $0x1BF5;
	p2 =	por !p2, p0  }
0x20: {  	[sflag:s8] =	ssyncset.s32 @!p0 $0xFFFFF086;
	s6 =	sadd.s32 @!p0 s3, s7;
	s7 =	simm.s32 @!p0 $0x108  }
0x21: {  	s3 =	sadd.s32 s3, s9;
	s6 =	sadd.s32 @!p0 $0x88, s6;
	s7 =	simm.s32 @p2 $0x1082  }
0x22: {  	[simem:s7], [sflag:s8] =	dma.local @!p0 [hbm:s6], $0xF7A  }
0x23: {  	s9 =	sor.u32 $0xD0000000, s2;
	s6 =	simm.s32 $0x108;
	_ =	swait.ge @!p0 [sflag:s8], $0x0  }
0x24: {  	s3 =	sadd.s32 $0x88, s3;
	s6 =	simm.s32 @!p1 $0x1082;
	[sflag:s4] =	ssyncset.s32 $0xFFFFF086  }
0x25: {  	[simem:s6], [sflag:s4] =	dma.local [hbm:s3], $0xF7A  }
0x26: {  	[smem:$0x3F9F] =	sst s1;
	(tag) =	ssettag s2;
	_ =	strace s9  }
0x27: {  	s1 =	sld [smem:$0x3FAF]  }
0x28: {  	s2 =	sld [smem:$0x3FB0]  }
0x29: {  	s4 =	sld [smem:$0x3FB2]  }
0x2a: {  	p0 =	seq.s32 s5, $0x0;
	s5 =	sld [smem:$0x3FB3]  }
0x2b: {  	s6 =	sld [smem:$0x3FB4]  }
0x2c: {  	s7 =	sld [smem:$0x3FB5]  }
0x2d: {  	s3 =	simm.s32 $0x108;
	s8 =	sld [smem:$0x3FB6]  }
0x2e: {  	s3 =	simm.s32 @!p0 $0x1082;
	s9 =	sld [smem:$0x3FB7]  }
0x2f: {  	lr =	sadd.s32 s0, s3;
	s0 =	sld [smem:$0x3FAE]  }
0x30: {  	s3 =	sld [smem:$0x3FB1]  }
0x31: {  	[smem:$0x3FBA] =	sst s10  }
0x32: {  	s10 =	sld [smem:$0x3FB8];
	_ =	sdelay $0x3  }
0x33: {  	p0 =	seq.s32 s10, $0x1;
	s10 =	sld [smem:$0x3FBA];
	_ =	sdelay $0x3  }
0x34: {  	[smem:$0x3FBA] =	sst s10  }
0x35: {  	s10 =	sld [smem:$0x3FB9];
	_ =	sdelay $0x3  }
0x36: {  	p1 =	seq.s32 s10, $0x1;
	s10 =	sld [smem:$0x3FBA];
	_ =	sdelay $0x3  }
0x37: {  	[smem:$0x3FBA] =	sst s10  }
0x38: {  	s10 =	sld [smem:$0x3FBB]  }
0x39: {  	_ = 	snop;
	(pc) =	sbr.ind lr, $3  }
0x3a: {  	_ = 	snop  }
0x3b: {  	_ = 	snop  }
0x3c: {  	p2 =	seq.s32 s10, $0x1;
	s10 =	sld [smem:$0x3FBA]  }
0x3d: {  	_ =	shalt  }
0x3e: {  	_ =	shalt  }
0x3f: {  	_ =	shalt  }
0x40: {  	_ =	shalt  }
0x41: {  	_ =	shalt  }
0x42: {  	_ =	shalt  }
0x43: {  	_ =	shalt  }
0x44: {  	_ =	shalt  }
0x45: {  	_ =	shalt  }
0x46: {  	_ =	shalt  }
0x47: {  	_ =	shalt  }
0x48: {  	_ =	shalt  }
0x49: {  	_ =	shalt  }
0x4a: {  	_ =	shalt  }
0x4b: {  	_ =	shalt  }
0x4c: {  	_ =	shalt  }
0x4d: {  	_ =	shalt  }
0x4e: {  	_ =	shalt  }
0x4f: {  	_ =	shalt  }
0x50: {  	_ =	shalt  }
0x51: {  	_ =	shalt  }
0x52: {  	_ =	shalt  }
0x53: {  	_ =	shalt  }
0x54: {  	_ =	shalt  }
0x55: {  	_ =	shalt  }
0x56: {  	_ =	shalt  }
0x57: {  	_ =	shalt  }
0x58: {  	_ =	shalt  }
0x59: {  	_ =	shalt  }
0x5a: {  	_ =	shalt  }
0x5b: {  	_ =	shalt  }
0x5c: {  	_ =	shalt  }
0x5d: {  	_ =	shalt  }
0x5e: {  	_ =	shalt  }
0x5f: {  	_ =	shalt  }
0x60: {  	_ =	shalt  }
0x61: {  	_ =	shalt  }
0x62: {  	_ =	shalt  }
0x63: {  	_ =	shalt  }
0x64: {  	_ =	shalt  }
0x65: {  	_ =	shalt  }
0x66: {  	_ =	shalt  }
0x67: {  	_ =	shalt  }
0x68: {  	_ =	shalt  }
0x69: {  	_ =	shalt  }
0x6a: {  	_ =	shalt  }
0x6b: {  	_ =	shalt  }
0x6c: {  	_ =	shalt  }
0x6d: {  	_ =	shalt  }
0x6e: {  	_ =	shalt  }
0x6f: {  	_ =	shalt  }
0x70: {  	_ =	shalt  }
0x71: {  	_ =	shalt  }
0x72: {  	_ =	shalt  }
0x73: {  	_ =	shalt  }
0x74: {  	_ =	shalt  }
0x75: {  	_ =	shalt  }
0x76: {  	_ =	shalt  }
0x77: {  	_ =	shalt  }
0x78: {  	_ =	shalt  }
0x79: {  	_ =	shalt  }
0x7a: {  	_ =	shalt  }
0x7b: {  	_ =	shalt  }
0x7c: {  	_ =	shalt  }
0x7d: {  	_ =	shalt  }
0x7e: {  	_ =	shalt  }
0x7f: {  	_ =	shalt  }
0x80: {  	_ =	shalt  }
0x81: {  	_ =	shalt  }
0x82: {  	_ =	shalt  }
0x83: {  	_ =	shalt  }
0x84: {  	_ =	shalt  }
0x85: {  	_ =	shalt  }
0x86: {  	_ =	shalt  }
0x87: {  	_ =	shalt  }
.Lfunc_end0:
.L_simem_size_0:
called_computation_lowered:
.L_overlay_start_0:
0x88: {  	s2 =	sld [smem:$0x3FD9]  }
0x89: {  	s3 =	sld [smem:$0x3FFE];
	_ =	sdelay $0x1  }
0x8a: {  	s1 =	srdreg.scid  }
0x8b: {  	s0 =	sand.u32 $0x1, s1  }
0x8c: {  	s14 =	sshll.u32 s0, $0xA;
	s2 =	sadd.s32 s3, s2  }
0x8d: {  	s2 =	sadd.s32 s2, s14  }
0x8e: {  	[smem:$0x3FC6] =	sst s2  }
0x8f: {  	_ = 	snop  }
0x90: {  	s2 =	sld [smem:$0x3FD0];
	_ =	sdelay $0x2  }
0x91: {  	s15 =	simm.s32 $0xA;
	s4 =	simm.s32 $0x10  }
0x92: {  	[smem:s4], [sflag:s15] =	dma.local [hbm:s2], $0x1  }
0x93: {  	_ =	swait.eq [sflag:s15], $0x1  }
0x94: {  	[sflag:s15] =	ssyncset.done $0x0  }
0x95: {  	[sflag:s15] =	ssyncadd.s32 $0xFFFFFFFF  }
0x96: {  	s16 =	sld [smem:$0x10];
	(tm) =	ssettm $0x1  }
0x97: {  	s17 =	sld [smem:$0x3FFB];
	_ =	sdelay $0x3  }
0x98: {  	_ =	strace s17  }
0x99: {  	s3 =	sld [smem:$0x3FFC];
	_ =	sdelay $0x3  }
0x9a: {  	_ =	strace s3  }
0x9b: {  	s3 =	sld [smem:$0x3FFD];
	_ =	sdelay $0x3  }
0x9c: {  	_ =	strace s3  }
0x9d: {  	_ =	strace $0x8FFFFFFF  }
0x9e: {  	s18 =	sld [smem:$0x3FDB];
	_ =	sdelay $0x1  }
0x9f: {  	s19 =	simm.s32 $_scs_section_size  }
0xa0: {  	s5 =	simm.s32 $_size__tile_overlayer_lowered;
	s6 =	simm.s32 $_tile_overlayer_lowered  }
0xa1: {  	s22 =	simm.s32 $0x1BFF;
	s21 =	sshll.u32 s6, $0x1;
	s3 =	sadd.s32 s19, s18  }
0xa2: {  	s7 =	simm.s32 $0x0;
	s20 =	sshll.u32 s5, $0x1;
	s5 =	sadd.s32 s21, s3  }
0xa3: {  	[timem:s7], [sflag:s22] =	dma.local [hbm:s5], s20  }
0xa4: {  	_ =	swait.ge [sflag:s22], s20  }
0xa5: {  	s4 =	ssub.s32 $0x0, s20;
	[sflag:s22] =	ssyncset.done $0x0  }
0xa6: {  	[sflag:s22] =	ssyncadd.s32 s4;
	_ =	sdelay $0x1  }
0xa7: {  	s23 =	simm.s32 $0x1B8B  }
0xa8: {  	_ =	swait.ge [sflag:s23], $0x1  }
0xa9: {  	[sflag:s23] =	ssyncset.done $0x0  }
0xaa: {  	s25 =	simm.s32 $0x1B8E;
	s24 =	sld [smem:$0x3FFE];
	[sflag:s23] =	ssyncadd.s32 $0xFFFFFFFF  }
0xab: {  	s26 =	simm.s32 $execute0_lowered;
	[smem:$0x3FD2] =	sst s25  }
0xac: {  	s5 =	sshll.u32 s26, $0x1;
	_ =	strace $0x80000046;
	[dreg:$0x1] =	wrdreg $0xFFFFFFFF  }
0xad: {  	s28 =	simm.s32 $_size_execute0_lowered;
	s3 =	sadd.s32 s3, s5;
	[dreg:$0x0] =	wrdreg $0x0  }
0xae: {  	s5 =	sshll.u32 s28, $0x1;
	[dreg:$0x2] =	wrdreg s3  }
0xaf: {  	[dreg:$0x3] =	wrdreg s5  }
0xb0: {  	[dreg:$0x4] =	wrdreg $0xC0  }
0xb1: {  	_ =	task [dreg:s7], $0x5FFFF  }
0xb2: {  	[dreg:$0x1] =	wrdreg $0xFFFFFFFF  }
0xb3: {  	[dreg:$0x0] =	wrdreg $0x60  }
0xb4: {  	[dreg:$0x2] =	wrdreg s24  }
0xb5: {  	[dreg:$0x3] =	wrdreg s16  }
0xb6: {  	[dreg:$0x4] =	wrdreg $0x9  }
0xb7: {  	_ =	task.clear_ibuf [dreg:s7], $0x5FFFF;
	_ =	strace $0x90000046  }
0xb8: {  	s29 =	simm.s32 $0x9;
	_ =	strace $0x80000048  }
0xb9: {  	_ =	swait.ge [sflag:s29], $0x1  }
0xba: {  	[sflag:s29] =	ssyncadd.s32 $0xFFFFFFFF  }
0xbb: {  	_ =	strace $0x90000048  }
0xbc: {  	_ =	sfence  }
0xbd: {  	s30 =	sld [smem:$0x0];
	_ =	sdelay $0x2  }
0xbe: {  	s31 =	sshll.u32 s1, $0xD;
	s1 =	sshrl.u32 s1, $0x2  }
0xbf: {  	s3 =	sand.u32 $0x4000, s31;
	s1 =	sadd.s32 s1, s30  }
0xc0: {  	s0 =	sor.u32 s3, s0;
	s1 =	sshll.u32 s1, $0x11  }
0xc1: {  	s0 =	sor.u32 s1, s0  }
0xc2: {  	s0 =	sadd.s32 $0x8F2B, s0  }
0xc3: {  	[sflag:s0] =	ssyncadd.remote.s32 $0x1  }
0xc4: {  	_ =	sfence.sel $0xFFFF  }
0xc5: {  	[dreg:$0x0] =	wrdreg $0xFFFFFFFF;
	(pc) =	sbr.abs _section_cstart, $3  }
0xc6: {  	[dreg:$0x1] =	wrdreg $0xFFFFFFFF  }
0xc7: {  	_ =	task.clear_ibuf [dreg:s7], $0x2FFFF;
	_ =	strace $0x9FFFFFFF  }
0xc8: {  	(tm) =	ssettm $0x7FFFFFFF  }
0xc9: {  	_ =	shalt  }
tec
execute0_lowered:
.L_overlay_start_1:
0x0: {  	(tag) =	ssettag $0x1  }
0x1: {  	s3 =	rddreg [dreg:$0x0]  }
0x2: {  	s4 =	rddreg [dreg:$0x1]  }
0x3: {  	s0 =	rddreg [dreg:$0x2];
	s5 =	srdreg.scid;
	s2 =	simm.s32 $0x0  }
0x4: {  	s1 =	stileid.u32;
	s11 =	simm.s32 $0x0;
	s5 =	sand.u32 $0x1, s5  }
0x5: {  	[smem:$0x7FF] =	sst s2;
	s6 =	sshll.u32 s1, $0xC;
	s8 =	sshll.u32 s1, $0x4  }
0x6: {  	s7 =	ssub.s32 $0x2, s5;
	_ =	strace $0x80000047;
	s3 =	sadd.s32 s6, s3  }
0x7: {  	s31 =	sshll.u32 s5, $0x10;
	s5 =	sshll.u32 s5, $0x8;
	s4 =	sadd.s32 s4, s8  }
0x8: {  	s8 =	simm.s32 $0x0;
	s30 =	sshrl.u32 s7, $0x1;
	s3 =	sadd.s32 s31, s3  }
0x9: {  	s4 =	sadd.s32 s5, s4;
	s6 =	ssub.s32 s7, s30;
	s3 =	sadd.s32 $0xC00, s3  }
0xa: {  	s7 =	simm.s32 $0x8000;
	s5 =	smax.u32 s6, $0x1;
	s6 =	simm.s32 $0x1  }
.LBB2_1:
0xb: {  	[tilespmem:s2], [sflag:$0x1] =	stream.linear.gather [hbm4b:s3+s2], $0x8000, $0x38;
	[tilespmem:$0x8080] =	vst v63  }
0xc: {  	_ =	swait.ge [sflag:s6], $0x8000  }
0xd: {  	[sflag:s6] =	ssyncset.done $0x0  }
0xe: {  	[sflag:s6] =	ssyncadd.s32 $0xFFFF8000  }
0xf: {  	v2 =	vld [tilespmem:s11+$0x0]  }
0x10: {  	v3 =	vld [tilespmem:s11+$0x80]  }
0x11: {  	v4 =	vld [tilespmem:s11+$0x100]  }
0x12: {  	v0 =	vld [tilespmem:s11+$0x180]  }
0x13: {  	v5 =	vimm.s32 $0x0;
	v1 =	vld [tilespmem:s11+$0x200]  }
0x14: {  	v5 =	vadd.s32 v5, v2;
	v2 =	vld [tilespmem:s11+$0x280]  }
0x15: {  	v5 =	vadd.s32 v3, v5;
	v3 =	vld [tilespmem:s11+$0x300]  }
0x16: {  	s9 =	simm.s32 $0x400;
	s10 =	simm.s32 $0x2000;
	v5 =	vadd.s32 v4, v5;
	v4 =	vld [tilespmem:s11+$0x380]  }
.LBB2_2:
0x17: {  	p0 =	sne.s32 s10, $0x1F000;
	v6 =	vld [tilespmem:s9+$0x0];
	v0 =	vadd.s32 v0, v5  }
0x18: {  	v5 =	vld [tilespmem:s9+$0x80];
	v0 =	vadd.s32 v1, v0  }
0x19: {  	v7 =	vld [tilespmem:s9+$0x100];
	v1 =	vadd.s32 v2, v0  }
.Ltmp0:
0x1a: {  	v0 =	vld [tilespmem:s9+$0x180];
	v2 =	vadd.s32 v3, v1;
	(pc) =	sbr.rel @p0 .LBB2_2-.Ltmp0, $4  }
0x1b: {  	v1 =	vld [tilespmem:s9+$0x200];
	v2 =	vadd.s32 v4, v2  }
0x1c: {  	v3 =	vadd.s32 v2, v6;
	v2 =	vld [tilespmem:s9+$0x280]  }
0x1d: {  	v4 =	vadd.s32 v5, v3;
	v3 =	vld [tilespmem:s9+$0x300]  }
0x1e: {  	v5 =	vadd.s32 v7, v4;
	v4 =	vld [tilespmem:s9+$0x380];
	s9 =	sshra.s32 s10, $0x2;
	s10 =	sadd.s32 $0x1000, s10  }
0x1f: {  	v6 =	vld [tilespmem:s9+$0x0];
	v0 =	vadd.s32 v0, v5  }
0x20: {  	v57 =	vld [tilespmem:s9+$0x80];
	v0 =	vadd.s32 v1, v0  }
0x21: {  	v58 =	vld [tilespmem:s9+$0x100];
	v0 =	vadd.s32 v2, v0  }
0x22: {  	v59 =	vld [tilespmem:s9+$0x180];
	v0 =	vadd.s32 v3, v0  }
0x23: {  	v60 =	vld [tilespmem:s9+$0x200];
	v0 =	vadd.s32 v4, v0  }
0x24: {  	v61 =	vld [tilespmem:s9+$0x280];
	v0 =	vadd.s32 v0, v6  }
0x25: {  	v62 =	vld [tilespmem:s9+$0x300];
	v0 =	vadd.s32 v57, v0  }
0x26: {  	v63 =	vld [tilespmem:s9+$0x380];
	v0 =	vadd.s32 v58, v0  }
0x27: {  	v0 =	vadd.s32 v59, v0  }
0x28: {  	v0 =	vadd.s32 v60, v0  }
0x29: {  	v0 =	vadd.s32 v61, v0  }
0x2a: {  	s8 =	sadd.s32 $0x1, s8;
	v0 =	vadd.s32 v62, v0  }
0x2b: {  	p0 =	sne.s32 s8, s5;
	v0 =	vadd.s32 v63, v0  }
.Ltmp1:
0x2c: {  	[tilespmem:$0x8000] =	vst v0;
	(pc) =	sbr.rel @p0 .LBB2_1-.Ltmp1, $4  }
0x2d: {  	[hbm4b:s4+s2] =	stream.linear.scatter [tilespmem:s7], [sflag:$0x1], $0x80, $0x38;
	[tilespmem:$0x8080] =	vst v63  }
0x2e: {  	_ =	swait.ge [sflag:s6], $0x80  }
0x2f: {  	[sflag:s6] =	ssyncset.done $0x0  }
0x30: {  	[sflag:s6] =	ssyncadd.s32 $0xFFFFFF80  }
0x31: {  	_ =	sfence.sel $0x180000  }
0x32: {  	[bflag:$0x0] =	sbarrier.arrive $0xFFFF  }
0x33: {  	p0 =	sne.s32 s1, $0x0;
	_ =	strace $0x90000047  }
0x34: {  	s0 =	sadd.s32 @!p0 $0x100000, s0;
	[bflag:$0x2] =	sbarrier.arrive $0xFFFF  }
0x35: {  	[sflag:s0] =	ssyncadd.tile.s32 @!p0 $0x1;
	_ =	shalt  }
.Lfunc_end2:
_tile_overlayer_lowered:
.L_overlay_start_2:
0x36: {  	(tag) =	ssettag $0x2  }
0x37: {  	s0 =	rddreg [dreg:$0x0];
	s2 =	stileid.u32  }
0x38: {  	s1 =	rddreg [dreg:$0x1];
	p0 =	sne.s32 s2, $0x0  }
0x39: {  	s3 =	rddreg [dreg:$0x2];
	[bflag:$0x3] =	sbarrier.arrive $0xFFFF;
	s2 =	simm.s32 @!p0 $0x1C01  }
0x3a: {  	[timem:s3], [sflag:s2] =	dma.local @!p0 [hbm:s0], s1  }
0x3b: {  	s0 =	simm.s32 @!p0 $0x1  }
0x3c: {  	_ =	swait.ge @!p0 [sflag:s0], s1  }
0x3d: {  	s1 =	ssub.s32 @!p0 $0x0, s1;
	[sflag:s0] =	ssyncset.done @!p0 $0x0  }
0x3e: {  	[sflag:s0] =	ssyncadd.s32 @!p0 s1  }
0x3f: {  	[bflag:$0x3] =	sbarrier.arrive $0xFFFF  }
0x40: {  	_ =	shalt  }

// kernel: kernel.8.cloned.1.call-start
scs
__scs_entry_jumppad:
0x0: {  	(pc) =	sbr.rel $0x88, $3  }
0x1: {  	(tag) =	ssettag $0x0;
	lr =	simm.s32 $0x1  }
0x2: {  	[smem:$0x3F9F] =	sst lr;
	_ =	strace $0xD0000000  }
0x3: {  	_ = 	snop  }
0x4: {  	_ = 	snop  }
0x5: {  	_ = 	snop  }
0x6: {  	_ = 	snop  }
0x7: {  	_ = 	snop  }
__scs_overlays_trampoline_lowered:
0x8: {  	[smem:$0x3FAE] =	sst s0  }
0x9: {  	[smem:$0x3FAF] =	sst s1  }
0xa: {  	[smem:$0x3FB0] =	sst s2  }
0xb: {  	[smem:$0x3FB1] =	sst s3  }
0xc: {  	[smem:$0x3FB2] =	sst s4  }
0xd: {  	[smem:$0x3FB3] =	sst s5  }
0xe: {  	[smem:$0x3FB4] =	sst s6  }
0xf: {  	[smem:$0x3FB5] =	sst s7  }
0x10: {  	[smem:$0x3FB6] =	sst s8  }
0x11: {  	[smem:$0x3FB7] =	sst s9;
	s0 =	simm.s32 @!p0 $0x0  }
0x12: {  	s1 =	sld [smem:$0x3F9D];
	s0 =	simm.s32 @p0 $0x1  }
0x13: {  	[smem:$0x3FB8] =	sst s0;
	s0 =	simm.s32 @!p1 $0x0  }
0x14: {  	s2 =	sld [smem:$0x3F9C];
	s0 =	simm.s32 @p1 $0x1  }
0x15: {  	[smem:$0x3FB9] =	sst s0;
	s0 =	simm.s32 @!p2 $0x0  }
0x16: {  	s3 =	sld [smem:$0x3FDB];
	s0 =	simm.s32 @p2 $0x1  }
0x17: {  	s4 =	simm.s32 $0x1BF5;
	[smem:$0x3FBB] =	sst s0  }
0x18: {  	s0 =	sld [smem:$0x3F9E];
	_ =	swait.ge [sflag:s4], $0x0  }
0x19: {  	s7 =	sld [smem:$0x3F9F]  }
0x1a: {  	s8 =	sadd.s32 $0xFFFFE003, lr  }
0x1b: {  	s9 =	sadd.s32 $0xFFFFFEF7, lr;
	s5 =	simm.s32 $0xFFFFFFFF;
	p2 =	slt.u32 s8, $0xFFFFF086  }
0x1c: {  	p1 =	slt.u32 s9, $0xF7A;
	s5 =	simm.s32 @!p2 $0x0  }
0x1d: {  	s5 =	simm.s32 @p1 $0x1;
	p0 =	seq.s32 s7, s2  }
0x1e: {  	s7 =	smul.u32 @!p0 $0xF7A, s2;
	p2 =	seq.s32 @!p0 s5, $0x0  }
0x1f: {  	s9 =	smul.u32 $0xF7A, s1;
	s8 =	simm.s32 @!p0 $0x1BF5;
	p2 =	por !p2, p0  }
0x20: {  	[sflag:s8] =	ssyncset.s32 @!p0 $0xFFFFF086;
	s6 =	sadd.s32 @!p0 s3, s7;
	s7 =	simm.s32 @!p0 $0x108  }
0x21: {  	s3 =	sadd.s32 s3, s9;
	s6 =	sadd.s32 @!p0 $0x88, s6;
	s7 =	simm.s32 @p2 $0x1082  }
0x22: {  	[simem:s7], [sflag:s8] =	dma.local @!p0 [hbm:s6], $0xF7A  }
0x23: {  	s9 =	sor.u32 $0xD0000000, s2;
	s6 =	simm.s32 $0x108;
	_ =	swait.ge @!p0 [sflag:s8], $0x0  }
0x24: {  	s3 =	sadd.s32 $0x88, s3;
	s6 =	simm.s32 @!p1 $0x1082;
	[sflag:s4] =	ssyncset.s32 $0xFFFFF086  }
0x25: {  	[simem:s6], [sflag:s4] =	dma.local [hbm:s3], $0xF7A  }
0x26: {  	[smem:$0x3F9F] =	sst s1;
	(tag) =	ssettag s2;
	_ =	strace s9  }
0x27: {  	s1 =	sld [smem:$0x3FAF]  }
0x28: {  	s2 =	sld [smem:$0x3FB0]  }
0x29: {  	s4 =	sld [smem:$0x3FB2]  }
0x2a: {  	p0 =	seq.s32 s5, $0x0;
	s5 =	sld [smem:$0x3FB3]  }
0x2b: {  	s6 =	sld [smem:$0x3FB4]  }
0x2c: {  	s7 =	sld [smem:$0x3FB5]  }
0x2d: {  	s3 =	simm.s32 $0x108;
	s8 =	sld [smem:$0x3FB6]  }
0x2e: {  	s3 =	simm.s32 @!p0 $0x1082;
	s9 =	sld [smem:$0x3FB7]  }
0x2f: {  	lr =	sadd.s32 s0, s3;
	s0 =	sld [smem:$0x3FAE]  }
0x30: {  	s3 =	sld [smem:$0x3FB1]  }
0x31: {  	[smem:$0x3FBA] =	sst s10  }
0x32: {  	s10 =	sld [smem:$0x3FB8];
	_ =	sdelay $0x3  }
0x33: {  	p0 =	seq.s32 s10, $0x1;
	s10 =	sld [smem:$0x3FBA];
	_ =	sdelay $0x3  }
0x34: {  	[smem:$0x3FBA] =	sst s10  }
0x35: {  	s10 =	sld [smem:$0x3FB9];
	_ =	sdelay $0x3  }
0x36: {  	p1 =	seq.s32 s10, $0x1;
	s10 =	sld [smem:$0x3FBA];
	_ =	sdelay $0x3  }
0x37: {  	[smem:$0x3FBA] =	sst s10  }
0x38: {  	s10 =	sld [smem:$0x3FBB]  }
0x39: {  	_ = 	snop;
	(pc) =	sbr.ind lr, $3  }
0x3a: {  	_ = 	snop  }
0x3b: {  	_ = 	snop  }
0x3c: {  	p2 =	seq.s32 s10, $0x1;
	s10 =	sld [smem:$0x3FBA]  }
0x3d: {  	_ =	shalt  }
0x3e: {  	_ =	shalt  }
0x3f: {  	_ =	shalt  }
0x40: {  	_ =	shalt  }
0x41: {  	_ =	shalt  }
0x42: {  	_ =	shalt  }
0x43: {  	_ =	shalt  }
0x44: {  	_ =	shalt  }
0x45: {  	_ =	shalt  }
0x46: {  	_ =	shalt  }
0x47: {  	_ =	shalt  }
0x48: {  	_ =	shalt  }
0x49: {  	_ =	shalt  }
0x4a: {  	_ =	shalt  }
0x4b: {  	_ =	shalt  }
0x4c: {  	_ =	shalt  }
0x4d: {  	_ =	shalt  }
0x4e: {  	_ =	shalt  }
0x4f: {  	_ =	shalt  }
0x50: {  	_ =	shalt  }
0x51: {  	_ =	shalt  }
0x52: {  	_ =	shalt  }
0x53: {  	_ =	shalt  }
0x54: {  	_ =	shalt  }
0x55: {  	_ =	shalt  }
0x56: {  	_ =	shalt  }
0x57: {  	_ =	shalt  }
0x58: {  	_ =	shalt  }
0x59: {  	_ =	shalt  }
0x5a: {  	_ =	shalt  }
0x5b: {  	_ =	shalt  }
0x5c: {  	_ =	shalt  }
0x5d: {  	_ =	shalt  }
0x5e: {  	_ =	shalt  }
0x5f: {  	_ =	shalt  }
0x60: {  	_ =	shalt  }
0x61: {  	_ =	shalt  }
0x62: {  	_ =	shalt  }
0x63: {  	_ =	shalt  }
0x64: {  	_ =	shalt  }
0x65: {  	_ =	shalt  }
0x66: {  	_ =	shalt  }
0x67: {  	_ =	shalt  }
0x68: {  	_ =	shalt  }
0x69: {  	_ =	shalt  }
0x6a: {  	_ =	shalt  }
0x6b: {  	_ =	shalt  }
0x6c: {  	_ =	shalt  }
0x6d: {  	_ =	shalt  }
0x6e: {  	_ =	shalt  }
0x6f: {  	_ =	shalt  }
0x70: {  	_ =	shalt  }
0x71: {  	_ =	shalt  }
0x72: {  	_ =	shalt  }
0x73: {  	_ =	shalt  }
0x74: {  	_ =	shalt  }
0x75: {  	_ =	shalt  }
0x76: {  	_ =	shalt  }
0x77: {  	_ =	shalt  }
0x78: {  	_ =	shalt  }
0x79: {  	_ =	shalt  }
0x7a: {  	_ =	shalt  }
0x7b: {  	_ =	shalt  }
0x7c: {  	_ =	shalt  }
0x7d: {  	_ =	shalt  }
0x7e: {  	_ =	shalt  }
0x7f: {  	_ =	shalt  }
0x80: {  	_ =	shalt  }
0x81: {  	_ =	shalt  }
0x82: {  	_ =	shalt  }
0x83: {  	_ =	shalt  }
0x84: {  	_ =	shalt  }
0x85: {  	_ =	shalt  }
0x86: {  	_ =	shalt  }
0x87: {  	_ =	shalt  }
.Lfunc_end0:
.L_simem_size_0:
called_computation.1_lowered:
.L_overlay_start_0:
0x88: {  	s2 =	sld [smem:$0x3FD9]  }
0x89: {  	s3 =	sld [smem:$0x3FFE];
	_ =	sdelay $0x1  }
0x8a: {  	s1 =	srdreg.scid  }
0x8b: {  	s0 =	sand.u32 $0x1, s1  }
0x8c: {  	s14 =	sshll.u32 s0, $0xA;
	s2 =	sadd.s32 s3, s2  }
0x8d: {  	s2 =	sadd.s32 s2, s14  }
0x8e: {  	[smem:$0x3FC6] =	sst s2  }
0x8f: {  	_ = 	snop  }
0x90: {  	s2 =	sld [smem:$0x3FD0];
	_ =	sdelay $0x2  }
0x91: {  	s15 =	simm.s32 $0xA;
	s4 =	simm.s32 $0x10  }
0x92: {  	[smem:s4], [sflag:s15] =	dma.local [hbm:s2], $0x1  }
0x93: {  	_ =	swait.eq [sflag:s15], $0x1  }
0x94: {  	[sflag:s15] =	ssyncset.done $0x0  }
0x95: {  	[sflag:s15] =	ssyncadd.s32 $0xFFFFFFFF  }
0x96: {  	s16 =	sld [smem:$0x10];
	(tm) =	ssettm $0x1  }
0x97: {  	s17 =	sld [smem:$0x3FFB];
	_ =	sdelay $0x3  }
0x98: {  	_ =	strace s17  }
0x99: {  	s3 =	sld [smem:$0x3FFC];
	_ =	sdelay $0x3  }
0x9a: {  	_ =	strace s3  }
0x9b: {  	s3 =	sld [smem:$0x3FFD];
	_ =	sdelay $0x3  }
0x9c: {  	_ =	strace s3  }
0x9d: {  	_ =	strace $0x8FFFFFFF  }
0x9e: {  	s18 =	sld [smem:$0x3FDB];
	_ =	sdelay $0x1  }
0x9f: {  	s19 =	simm.s32 $_scs_section_size  }
0xa0: {  	s5 =	simm.s32 $_size__tile_overlayer_lowered;
	s6 =	simm.s32 $_tile_overlayer_lowered  }
0xa1: {  	s22 =	simm.s32 $0x1BFF;
	s21 =	sshll.u32 s6, $0x1;
	s3 =	sadd.s32 s19, s18  }
0xa2: {  	s7 =	simm.s32 $0x0;
	s20 =	sshll.u32 s5, $0x1;
	s5 =	sadd.s32 s21, s3  }
0xa3: {  	[timem:s7], [sflag:s22] =	dma.local [hbm:s5], s20  }
0xa4: {  	_ =	swait.ge [sflag:s22], s20  }
0xa5: {  	s4 =	ssub.s32 $0x0, s20;
	[sflag:s22] =	ssyncset.done $0x0  }
0xa6: {  	[sflag:s22] =	ssyncadd.s32 s4;
	_ =	sdelay $0x1  }
0xa7: {  	s23 =	simm.s32 $0x1B8B  }
0xa8: {  	_ =	swait.ge [sflag:s23], $0x1  }
0xa9: {  	[sflag:s23] =	ssyncset.done $0x0  }
0xaa: {  	s25 =	simm.s32 $0x1B8E;
	s24 =	sld [smem:$0x3FFE];
	[sflag:s23] =	ssyncadd.s32 $0xFFFFFFFF  }
0xab: {  	s26 =	simm.s32 $execute0_lowered;
	[smem:$0x3FD2] =	sst s25  }
0xac: {  	s5 =	sshll.u32 s26, $0x1;
	_ =	strace $0x80000049;
	[dreg:$0x1] =	wrdreg $0xFFFFFFFF  }
0xad: {  	s28 =	simm.s32 $_size_execute0_lowered;
	s3 =	sadd.s32 s3, s5;
	[dreg:$0x0] =	wrdreg $0x0  }
0xae: {  	s5 =	sshll.u32 s28, $0x1;
	[dreg:$0x2] =	wrdreg s3  }
0xaf: {  	[dreg:$0x3] =	wrdreg s5  }
0xb0: {  	[dreg:$0x4] =	wrdreg $0xC0  }
0xb1: {  	_ =	task [dreg:s7], $0x5FFFF  }
0xb2: {  	[dreg:$0x1] =	wrdreg $0xFFFFFFFF  }
0xb3: {  	[dreg:$0x0] =	wrdreg $0x60  }
0xb4: {  	[dreg:$0x2] =	wrdreg s24  }
0xb5: {  	[dreg:$0x3] =	wrdreg s16  }
0xb6: {  	[dreg:$0x4] =	wrdreg $0x9  }
0xb7: {  	_ =	task.clear_ibuf [dreg:s7], $0x5FFFF;
	_ =	strace $0x90000049  }
0xb8: {  	s29 =	simm.s32 $0x9;
	_ =	strace $0x8000004B  }
0xb9: {  	_ =	swait.ge [sflag:s29], $0x1  }
0xba: {  	[sflag:s29] =	ssyncadd.s32 $0xFFFFFFFF  }
0xbb: {  	_ =	strace $0x9000004B  }
0xbc: {  	_ =	sfence  }
0xbd: {  	s30 =	sld [smem:$0x0];
	_ =	sdelay $0x2  }
0xbe: {  	s31 =	sshll.u32 s1, $0xD;
	s1 =	sshrl.u32 s1, $0x2  }
0xbf: {  	s3 =	sand.u32 $0x4000, s31;
	s1 =	sadd.s32 s1, s30  }
0xc0: {  	s0 =	sor.u32 s3, s0;
	s1 =	sshll.u32 s1, $0x11  }
0xc1: {  	s0 =	sor.u32 s1, s0  }
0xc2: {  	s0 =	sadd.s32 $0x8F2B, s0  }
0xc3: {  	[sflag:s0] =	ssyncadd.remote.s32 $0x1  }
0xc4: {  	_ =	sfence.sel $0xFFFF  }
0xc5: {  	[dreg:$0x0] =	wrdreg $0xFFFFFFFF;
	(pc) =	sbr.abs _section_cstart, $3  }
0xc6: {  	[dreg:$0x1] =	wrdreg $0xFFFFFFFF  }
0xc7: {  	_ =	task.clear_ibuf [dreg:s7], $0x2FFFF;
	_ =	strace $0x9FFFFFFF  }
0xc8: {  	(tm) =	ssettm $0x7FFFFFFF  }
0xc9: {  	_ =	shalt  }
tec
execute0_lowered:
.L_overlay_start_1:
0x0: {  	(tag) =	ssettag $0x1  }
0x1: {  	s3 =	rddreg [dreg:$0x0]  }
0x2: {  	s4 =	rddreg [dreg:$0x1]  }
0x3: {  	s0 =	rddreg [dreg:$0x2];
	s5 =	srdreg.scid  }
0x4: {  	s2 =	simm.s32 $0x0;
	s1 =	stileid.u32;
	s8 =	simm.s32 $0x10000  }
0x5: {  	s9 =	simm.s32 $0x8000;
	s10 =	simm.s32 $0x0;
	s5 =	sand.u32 $0x1, s5;
	v0 =	vmov s1  }
0x6: {  	[smem:$0x7FF] =	sst s2;
	s7 =	sshll.u32 s1, $0xC;
	s6 =	sshll.u32 s5, $0x10;
	vm0 =	veq.s32 v0, $0xF;
	vm1 =	vlt.u32 v0, $0xE;
	vm2 =	vlt.u32 v0, $0xD  }
0x7: {  	_ =	strace $0x8000004A;
	s30 =	ssub.s32 $0x2, s5;
	vm3 =	vlt.u32 v0, $0xC;
	vm4 =	vlt.u32 v0, $0xB;
	vm5 =	vlt.u32 v0, $0xA;
	s6 =	sor.u32 s7, s6  }
0x8: {  	s5 =	sshll.u32 s5, $0x8;
	vm6 =	vlt.u32 v0, $0x9;
	vm7 =	vlt.u32 v0, $0x8;
	vm8 =	vlt.u32 v0, $0x7;
	s31 =	sshrl.u32 s30, $0x1;
	s6 =	sadd.s32 s6, s3  }
0x9: {  	vm9 =	vlt.u32 v0, $0x6;
	vm10 =	vlt.u32 v0, $0x5;
	vm11 =	vlt.u32 v0, $0x4;
	s4 =	sadd.s32 s4, s5;
	s7 =	ssub.s32 s30, s31;
	s3 =	sadd.s32 $0xC00, s6  }
0xa: {  	vm12 =	vlt.u32 v0, $0x3;
	vm13 =	vlt.u32 v0, $0x2;
	vm14 =	veq.s32 v0, $0x0;
	s5 =	sadd.s32 $0x20C00, s6;
	s6 =	smax.u32 s7, $0x1;
	s7 =	simm.s32 $0x1  }
.LBB2_1:
0xb: {  	[tilespmem:s2], [sflag:$0x1] =	stream.linear.gather [hbm4b:s3+s2], $0x8000, $0x38;
	[tilespmem:$0x10800] =	vst v63  }
0xc: {  	_ =	swait.ge [sflag:s7], $0x8000  }
0xd: {  	[sflag:s7] =	ssyncset.done $0x0  }
0xe: {  	[sflag:s7] =	ssyncadd.s32 $0xFFFF8000  }
0xf: {  	[tilespmem:s8], [sflag:$0x1] =	stream.linear.gather [hbm4b:s4+s2], $0x800, $0x38;
	[tilespmem:$0x10800] =	vst v63  }
0x10: {  	_ =	swait.ge [sflag:s7], $0x800  }
0x11: {  	[sflag:s7] =	ssyncset.done $0x0  }
0x12: {  	[sflag:s7] =	ssyncadd.s32 $0xFFFFF800  }
0x13: {  	v0 =	vld [tilespmem:$0x10000]  }
0x14: {  	v1 =	vld [tilespmem:$0x10080]  }
0x15: {  	v2 =	vld [tilespmem:$0x10100]  }
0x16: {  	v3 =	vld [tilespmem:$0x10180]  }
0x17: {  	v4 =	vld [tilespmem:$0x10200]  }
0x18: {  	v5 =	vld [tilespmem:$0x10280]  }
0x19: {  	v6 =	vld [tilespmem:$0x10300]  }
0x1a: {  	v7 =	vld [tilespmem:$0x10380]  }
0x1b: {  	v8 =	vld [tilespmem:$0x10400]  }
0x1c: {  	v9 =	vld [tilespmem:$0x10480]  }
0x1d: {  	s11 =	simm.s32 $0x0;
	v10 =	vld [tilespmem:$0x10500];
	v0 =	vsel vm14, $0x0, v0;
	v1 =	vsel vm13, $0x0, v1  }
0x1e: {  	v11 =	vld [tilespmem:s11+$0x80];
	v0 =	vadd.s32 v0, v1;
	v1 =	vsel vm12, $0x0, v2  }
0x1f: {  	v2 =	vld [tilespmem:$0x10580];
	v0 =	vadd.s32 v1, v0;
	v1 =	vsel vm11, $0x0, v3  }
0x20: {  	v3 =	vld [tilespmem:$0x10600];
	v0 =	vadd.s32 v1, v0;
	v1 =	vsel vm10, $0x0, v4  }
0x21: {  	v4 =	vld [tilespmem:$0x10680];
	v0 =	vadd.s32 v1, v0;
	v1 =	vsel vm9, $0x0, v5  }
0x22: {  	v0 =	vadd.s32 v1, v0;
	v1 =	vsel vm8, $0x0, v6;
	v6 =	vld [tilespmem:s11+$0x0]  }
0x23: {  	v5 =	vld [tilespmem:$0x10700];
	v0 =	vadd.s32 v1, v0;
	v1 =	vsel vm7, $0x0, v7  }
0x24: {  	v0 =	vadd.s32 v1, v0;
	v1 =	vsel vm6, $0x0, v8;
	v8 =	vld [tilespmem:s11+$0x100]  }
0x25: {  	v0 =	vadd.s32 v1, v0;
	v1 =	vsel vm5, $0x0, v9;
	v9 =	vld [tilespmem:s11+$0x180]  }
0x26: {  	v7 =	vimm.s32 $0x0;
	v0 =	vadd.s32 v1, v0;
	v1 =	vsel vm4, $0x0, v10;
	v10 =	vld [tilespmem:s11+$0x200]  }
0x27: {  	v12 =	vld [tilespmem:s11+$0x280];
	v0 =	vadd.s32 v1, v0;
	v1 =	vsel vm3, $0x0, v2;
	v7 =	vadd.s32 v7, v6  }
0x28: {  	v13 =	vld [tilespmem:s11+$0x300];
	v0 =	vadd.s32 v1, v0;
	v1 =	vsel vm2, $0x0, v3;
	v3 =	vadd.s32 v7, v11  }
0x29: {  	v0 =	vadd.s32 v1, v0;
	v1 =	vsel vm1, $0x0, v4;
	v14 =	vadd.s32 v3, v8  }
0x2a: {  	v16 =	vld [tilespmem:s11+$0x380];
	v0 =	vadd.s32 v1, v0;
	v1 =	vnsel vm0, $0x0, v5;
	v15 =	vadd.s32 v14, v9  }
0x2b: {  	v0 =	vadd.s32 v1, v0;
	v17 =	vadd.s32 v15, v10  }
0x2c: {  	v2 =	vadd.s32 $0xFFFFFDFF, v0;
	v4 =	vadd.s32 v17, v12  }
0x2d: {  	s12 =	simm.s32 $0x400;
	v5 =	vadd.s32 v4, v2;
	v18 =	vadd.s32 v4, v13  }
0x2e: {  	v1 =	vld [tilespmem:s12+$0x80];
	v7 =	vadd.s32 v7, v2;
	v15 =	vadd.s32 v15, v2;
	v5 =	vshra.s32 v5, $0x1F  }
0x2f: {  	v0 =	vld [tilespmem:s12+$0x0];
	v19 =	vadd.s32 v18, v2;
	v18 =	vadd.s32 v18, v16;
	v62 =	vshra.s32 v7, $0x1F  }
0x30: {  	v4 =	vld [tilespmem:s12+$0x100];
	v12 =	vand.u32 v12, v5;
	v19 =	vshra.s32 v19, $0x1F;
	v20 =	vadd.s32 v18, v2  }
0x31: {  	v5 =	vld [tilespmem:s12+$0x180];
	[tilespmem:s11+$0x8280] =	vst v12;
	v12 =	vadd.s32 v3, v2;
	v13 =	vand.u32 v13, v19;
	v7 =	vshra.s32 v20, $0x1F  }
0x32: {  	v3 =	vld [tilespmem:s12+$0x200];
	v21 =	vshra.s32 v12, $0x1F;
	[tilespmem:s11+$0x8300] =	vst v13;
	v12 =	vadd.s32 v14, v2;
	v13 =	vadd.s32 v17, v2  }
0x33: {  	v14 =	vand.u32 v16, v7;
	v12 =	vshra.s32 v12, $0x1F;
	v13 =	vshra.s32 v13, $0x1F  }
0x34: {  	v7 =	vld [tilespmem:s12+$0x280];
	[tilespmem:s11+$0x8380] =	vst v14;
	v14 =	vshra.s32 v15, $0x1F;
	v15 =	vand.u32 v11, v21;
	v10 =	vand.u32 v10, v13  }
0x35: {  	v13 =	vand.u32 v8, v12;
	v9 =	vand.u32 v9, v14;
	v14 =	vadd.s32 v18, v0  }
0x36: {  	v8 =	vld [tilespmem:s12+$0x300];
	v12 =	vand.u32 v6, v62;
	[tilespmem:s11+$0x8200] =	vst v10;
	v6 =	vadd.s32 v14, v2;
	v11 =	vadd.s32 v14, v1  }
0x37: {  	v10 =	vld [tilespmem:s12+$0x380];
	v6 =	vshra.s32 v6, $0x1F;
	v14 =	vadd.s32 v11, v2;
	v11 =	vadd.s32 v11, v4;
	[tilespmem:s11+$0x8180] =	vst v9  }
0x38: {  	[tilespmem:s11+$0x8100] =	vst v13;
	v9 =	vshra.s32 v14, $0x1F;
	v14 =	vadd.s32 v11, v2;
	v63 =	vadd.s32 v11, v5  }
0x39: {  	s13 =	simm.s32 $0x2000;
	[tilespmem:s11+$0x8080] =	vst v15;
	v11 =	vshra.s32 v14, $0x1F;
	v13 =	vadd.s32 v63, v2;
	v14 =	vadd.s32 v63, v3  }
.LBB2_2:
0x3a: {  	p0 =	sne.s32 s13, $0x1F000;
	v13 =	vshra.s32 v13, $0x1F;
	v15 =	vadd.s32 v14, v2;
	v14 =	vadd.s32 v14, v7;
	[tilespmem:s11+$0x8000] =	vst v12;
	s11 =	smov.u32 s12;
	s12 =	sshra.s32 s13, $0x2  }
0x3b: {  	v16 =	vld [tilespmem:s12+$0x0];
	v12 =	vshra.s32 v15, $0x1F;
	v15 =	vadd.s32 v14, v2;
	v14 =	vadd.s32 v14, v8  }
0x3c: {  	v17 =	vld [tilespmem:s12+$0x80];
	v15 =	vshra.s32 v15, $0x1F;
	v18 =	vadd.s32 v14, v2;
	v14 =	vadd.s32 v14, v10  }
0x3d: {  	v19 =	vld [tilespmem:s12+$0x100];
	v7 =	vand.u32 v7, v15;
	v15 =	vshra.s32 v18, $0x1F;
	v18 =	vadd.s32 v14, v2  }
0x3e: {  	v21 =	vand.u32 v3, v12;
	v20 =	vld [tilespmem:s12+$0x180];
	[tilespmem:s11+$0x8280] =	vst v7;
	v7 =	vand.u32 v8, v15;
	v8 =	vshra.s32 v18, $0x1F  }
0x3f: {  	v11 =	vand.u32 v4, v11;
	v4 =	vand.u32 v5, v13;
	v3 =	vld [tilespmem:s12+$0x200];
	[tilespmem:s11+$0x8300] =	vst v7;
	v5 =	vand.u32 v10, v8  }
.Ltmp0:
0x40: {  	v12 =	vand.u32 v0, v6;
	v15 =	vand.u32 v1, v9;
	v8 =	vadd.s32 v14, v16;
	v7 =	vld [tilespmem:s12+$0x280];
	[tilespmem:s11+$0x8380] =	vst v5;
	(pc) =	sbr.rel @p0 .LBB2_2-.Ltmp0, $4  }
0x41: {  	v0 =	vmovc v16;
	v18 =	vadd.s32 v8, v2;
	v9 =	vadd.s32 v8, v17;
	v8 =	vld [tilespmem:s12+$0x300];
	[tilespmem:s11+$0x8200] =	vst v21;
	v1 =	vmov v17  }
0x42: {  	v6 =	vshra.s32 v18, $0x1F;
	v17 =	vadd.s32 v9, v2;
	v13 =	vadd.s32 v9, v19;
	v10 =	vld [tilespmem:s12+$0x380];
	[tilespmem:s11+$0x8180] =	vst v4;
	v4 =	vmovc v19  }
0x43: {  	v9 =	vshra.s32 v17, $0x1F;
	v14 =	vadd.s32 v13, v2;
	v16 =	vadd.s32 v13, v20;
	[tilespmem:s11+$0x8100] =	vst v11;
	v5 =	vmovc v20  }
0x44: {  	s13 =	sadd.s32 $0x1000, s13;
	v11 =	vshra.s32 v14, $0x1F;
	v13 =	vadd.s32 v16, v2;
	v14 =	vadd.s32 v16, v3;
	[tilespmem:s11+$0x8080] =	vst v15  }
0x45: {  	v15 =	vadd.s32 v14, v7;
	[tilespmem:s11+$0x8000] =	vst v12;
	v63 =	vand.u32 v4, v11  }
0x46: {  	v57 =	vadd.s32 v14, v2;
	v61 =	vshra.s32 v13, $0x1F;
	v1 =	vand.u32 v1, v9;
	[tilespmem:s12+$0x8100] =	vst v63  }
0x47: {  	v0 =	vand.u32 v0, v6;
	v16 =	vadd.s32 v15, v2;
	v15 =	vadd.s32 v15, v8;
	[tilespmem:s12+$0x8080] =	vst v1  }
0x48: {  	v62 =	vand.u32 v5, v61;
	[tilespmem:s12+$0x8000] =	vst v0;
	v16 =	vshra.s32 v16, $0x1F;
	v17 =	vadd.s32 v15, v2  }
0x49: {  	v15 =	vadd.s32 v15, v10;
	[tilespmem:s12+$0x8180] =	vst v62;
	v55 =	vand.u32 v7, v16;
	v56 =	vshra.s32 v17, $0x1F  }
0x4a: {  	v15 =	vadd.s32 v15, v2;
	v2 =	vshra.s32 v57, $0x1F;
	[tilespmem:s12+$0x8280] =	vst v55;
	v58 =	vand.u32 v8, v56  }
0x4b: {  	s10 =	sadd.s32 $0x1, s10;
	v59 =	vshra.s32 v15, $0x1F;
	v2 =	vand.u32 v3, v2;
	[tilespmem:s12+$0x8300] =	vst v58  }
0x4c: {  	p0 =	sne.s32 s10, s6;
	v60 =	vand.u32 v10, v59;
	[tilespmem:s12+$0x8200] =	vst v2  }
.Ltmp1:
0x4d: {  	[tilespmem:s12+$0x8380] =	vst v60;
	(pc) =	sbr.rel @p0 .LBB2_1-.Ltmp1, $4  }
0x4e: {  	[hbm4b:s5+s2] =	stream.linear.scatter [tilespmem:s9], [sflag:$0x1], $0x8000, $0x38;
	[tilespmem:$0x10800] =	vst v63  }
0x4f: {  	_ =	swait.ge [sflag:s7], $0x8000  }
0x50: {  	[sflag:s7] =	ssyncset.done $0x0  }
0x51: {  	[sflag:s7] =	ssyncadd.s32 $0xFFFF8000  }
0x52: {  	_ =	sfence.sel $0x180000  }
0x53: {  	[bflag:$0x0] =	sbarrier.arrive $0xFFFF  }
0x54: {  	p0 =	sne.s32 s1, $0x0;
	_ =	strace $0x9000004A  }
0x55: {  	s0 =	sadd.s32 @!p0 $0x100000, s0;
	[bflag:$0x2] =	sbarrier.arrive $0xFFFF  }
0x56: {  	[sflag:s0] =	ssyncadd.tile.s32 @!p0 $0x1;
	_ =	shalt  }
.Lfunc_end2:
_tile_overlayer_lowered:
.L_overlay_start_2:
0x57: {  	(tag) =	ssettag $0x2  }
0x58: {  	s0 =	rddreg [dreg:$0x0];
	s2 =	stileid.u32  }
0x59: {  	s1 =	rddreg [dreg:$0x1];
	p0 =	sne.s32 s2, $0x0  }
0x5a: {  	s3 =	rddreg [dreg:$0x2];
	[bflag:$0x3] =	sbarrier.arrive $0xFFFF;
	s2 =	simm.s32 @!p0 $0x1C01  }
0x5b: {  	[timem:s3], [sflag:s2] =	dma.local @!p0 [hbm:s0], s1  }
0x5c: {  	s0 =	simm.s32 @!p0 $0x1  }
0x5d: {  	_ =	swait.ge @!p0 [sflag:s0], s1  }
0x5e: {  	s1 =	ssub.s32 @!p0 $0x0, s1;
	[sflag:s0] =	ssyncset.done @!p0 $0x0  }
0x5f: {  	[sflag:s0] =	ssyncadd.s32 @!p0 s1  }
0x60: {  	[bflag:$0x3] =	sbarrier.arrive $0xFFFF  }
0x61: {  	_ =	shalt  }

</sc_bundles>
